<compile_context>
chip_gen: v7x
topology: tpu7x:2x2x1
jax: 0.10.2.dev20260603
libtpu: 0.0.44.dev20260713+nightly
codegen_flags: <defaults>
</compile_context>

<pallas_src>
import functools

import jax
import jax.numpy as jnp
from jax import lax
from jax.experimental import pallas as pl
from jax.experimental.pallas import tpu as pltpu
from jax.experimental.pallas import tpu_sc as plsc

N, D, H, E, K = 2048, 1024, 2048, 8, 2
A = N * K
BLK = 536
TMAX = 15
P = TMAX * BLK
GR, AW = A // 128, 128
NC, NS = 2, 16
NW = NC * NS
TE_PAD = 64
BN = 512


def _router_body(x_ref, g_ref, b_ref, wr_ref, ln2_ref, idx_ref, gate_ref):
    x = x_ref[...]
    m = jnp.mean(x, axis=-1, keepdims=True)
    v = jnp.mean((x - m) ** 2, axis=-1, keepdims=True)
    xf = (x - m) * lax.rsqrt(v + 1e-5) * g_ref[...] + b_ref[...]
    logits = lax.dot_general(xf, wr_ref[...], (((1,), (1,)), ((), ())),
                             preferred_element_type=jnp.float32)
    m2 = jnp.mean(xf, axis=-1, keepdims=True)
    v2 = jnp.mean((xf - m2) ** 2, axis=-1, keepdims=True)
    ln2_ref[...] = (xf - m2) * lax.rsqrt(v2 + 1e-5)
    ie = lax.broadcasted_iota(jnp.int32, logits.shape, 1)
    t1 = jnp.max(logits, axis=-1, keepdims=True)
    i1 = jnp.min(jnp.where(logits == t1, ie, E), axis=-1, keepdims=True)
    masked = jnp.where(ie == i1, -jnp.inf, logits)
    t2 = jnp.max(masked, axis=-1, keepdims=True)
    i2 = jnp.min(jnp.where(masked == t2, ie, E), axis=-1, keepdims=True)
    g1 = 1.0 / (1.0 + jnp.exp(t2 - t1))
    idx_ref[...] = jnp.concatenate([i1, i2], axis=1)
    gate_ref[...] = jnp.concatenate([g1, 1.0 - g1], axis=1)


def _router(xf, ln_g, ln_b, Wr):
    return pl.pallas_call(
        _router_body,
        grid=(N // BN,),
        in_specs=[
            pl.BlockSpec((BN, D), lambda i: (i, 0)),
            pl.BlockSpec((1, D), lambda i: (0, 0)),
            pl.BlockSpec((1, D), lambda i: (0, 0)),
            pl.BlockSpec((E, D), lambda i: (0, 0)),
        ],
        out_specs=[
            pl.BlockSpec((BN, D), lambda i: (i, 0)),
            pl.BlockSpec((BN, K), lambda i: (i, 0)),
            pl.BlockSpec((BN, K), lambda i: (i, 0)),
        ],
        out_shape=[
            jax.ShapeDtypeStruct((N, D), jnp.float32),
            jax.ShapeDtypeStruct((N, K), jnp.int32),
            jax.ShapeDtypeStruct((N, K), jnp.float32),
        ],
    )(xf, ln_g, ln_b, Wr)


def _plan_body(idx_ref, dest_ref, te_ref, nt_ref):
    idx2 = idx_ref[...]
    fi = lax.broadcasted_iota(jnp.int32, (AW, AW), 0)
    fj = lax.broadcasted_iota(jnp.int32, (AW, AW), 1)
    U = (fi < fj).astype(jnp.float32)
    gi = lax.broadcasted_iota(jnp.int32, (GR, GR), 0)
    gj = lax.broadcasted_iota(jnp.int32, (GR, GR), 1)
    Ls = (gj < gi).astype(jnp.float32)
    ohs = [(idx2 == e).astype(jnp.float32) for e in range(E)]
    S = jnp.concatenate(
        [jnp.sum(oh, axis=1, keepdims=True) for oh in ohs], axis=1)
    Pm = lax.dot_general(Ls, S, (((1,), (0,)), ((), ())),
                         preferred_element_type=jnp.float32)
    c = jnp.sum(S, axis=0, keepdims=True)
    nt_e = jnp.ceil(c * (1.0 / BLK))
    ei = lax.broadcasted_iota(jnp.int32, (E, E), 0)
    ej = lax.broadcasted_iota(jnp.int32, (E, E), 1)
    UE = (ei < ej).astype(jnp.float32)
    off_t = lax.dot_general(nt_e, UE, (((1,), (0,)), ((), ())),
                            preferred_element_type=jnp.float32)
    total = jnp.sum(nt_e, axis=1, keepdims=True)
    rank = jnp.zeros((GR, AW), jnp.float32)
    for e in range(E):
        cum = lax.dot_general(ohs[e], U, (((1,), (0,)), ((), ())),
                              preferred_element_type=jnp.float32)
        base = off_t[0:1, e:e + 1] * float(BLK)
        rank = rank + ohs[e] * (cum + Pm[:, e:e + 1] + base)
    dest_ref[...] = rank.astype(jnp.int32)
    tio = lax.broadcasted_iota(jnp.int32, (1, TE_PAD), 1).astype(jnp.float32)
    tcl = jnp.minimum(tio, total - 1.0)
    endk = off_t + nt_e
    te = jnp.zeros((1, TE_PAD), jnp.float32)
    for e in range(E):
        te = te + (tcl >= endk[0:1, e:e + 1]).astype(jnp.float32)
    te_ref[...] = te.astype(jnp.int32)
    nt_ref[...] = total.astype(jnp.int32)


def _plan(idxT):
    return pl.pallas_call(
        _plan_body,
        out_shape=[
            jax.ShapeDtypeStruct((GR, AW), jnp.int32),
            jax.ShapeDtypeStruct((1, TE_PAD), jnp.int32),
            jax.ShapeDtypeStruct((1, 1), jnp.int32),
        ],
    )(idxT)


ASG_W = A // NW
DCH = 32

@functools.cache
def _sc_mesh():
    return plsc.VectorSubcoreMesh(
        core_axis_name="c", subcore_axis_name="s",
        num_cores=NC, num_subcores=NS)


def _dispatch_body(ln2_hbm, dest2_hbm, xs_hbm, idx_m, rb0, rb1, semL0, semL1,
                   semS0, semS1):
    wid = lax.axis_index("s") * NC + lax.axis_index("c")
    nch = ASG_W // DCH
    rowbase = wid * nch
    tbase = (wid * ASG_W) % N
    pltpu.sync_copy(dest2_hbm.at[pl.ds(rowbase, nch)], idx_m)
    rb = (rb0, rb1)
    semL = (semL0, semL1)
    semS = (semS0, semS1)
    ld = [None] * nch
    sc = [None] * nch
    ld[0] = pltpu.async_copy(ln2_hbm.at[pl.ds(tbase, DCH)], rb[0], semL[0])
    for c in range(nch):
        ld[c].wait()
        sc[c] = pltpu.async_copy(rb[c % 2], xs_hbm.at[idx_m.at[c]], semS[c % 2])
        if c + 1 < nch:
            if c >= 1:
                sc[c - 1].wait()
            ld[c + 1] = pltpu.async_copy(
                ln2_hbm.at[pl.ds(tbase + (c + 1) * DCH, DCH)],
                rb[(c + 1) % 2], semL[(c + 1) % 2])
    sc[nch - 2].wait()
    sc[nch - 1].wait()


def _dispatch(ln2, destf):
    f = pl.kernel(
        _dispatch_body,
        out_type=jax.ShapeDtypeStruct((P, D), jnp.float32),
        mesh=_sc_mesh(),
        scratch_types=[
            pltpu.VMEM((ASG_W // DCH, DCH), jnp.int32),
            pltpu.VMEM((DCH, D), jnp.float32),
            pltpu.VMEM((DCH, D), jnp.float32),
            pltpu.SemaphoreType.DMA,
            pltpu.SemaphoreType.DMA,
            pltpu.SemaphoreType.DMA,
            pltpu.SemaphoreType.DMA,
        ],
    )
    return f(ln2, destf.reshape(A // DCH, DCH))


def _gmm_body(nt_s, te_s, xs_ref, w1_ref, w2_ref, wo_ref, eng_ref, enb_ref,
              b1_ref, b2_ref, bo_ref, y_ref):
    t = pl.program_id(0)

    @pl.when(t < nt_s[0])
    def _():
        h = xs_ref[...] * eng_ref[0] + enb_ref[0]
        x1 = lax.dot_general(h, w1_ref[0], (((1,), (1,)), ((), ())),
                             preferred_element_type=jnp.float32) + b1_ref[0]
        x2 = lax.dot_general(h, w2_ref[0], (((1,), (1,)), ((), ())),
                             preferred_element_type=jnp.float32) + b2_ref[0]
        g = jnp.clip(x2, -20.0, 20.0)
        g = g / (1.0 + jnp.exp(-g))
        hid = jnp.clip(x1 * g, -10000.0, 10000.0)
        y = lax.dot_general(hid, wo_ref[0], (((1,), (1,)), ((), ())),
                            preferred_element_type=jnp.float32) + bo_ref[0]
        y_ref[...] = jnp.clip(y, -10000.0, 10000.0)


def _gmm(ntiles, te, xs, W1, W2, Wo, eng, enb, b1, b2, bo):
    def row_idx(t, nt, te):
        return (jnp.minimum(t, nt[0] - 1), 0)

    def exp_idx3(t, nt, te):
        return (te[jnp.minimum(t, nt[0] - 1)], 0, 0)

    def exp_idx2(t, nt, te):
        return (te[jnp.minimum(t, nt[0] - 1)], 0)

    grid_spec = pltpu.PrefetchScalarGridSpec(
        num_scalar_prefetch=2,
        grid=(TMAX,),
        in_specs=[
            pl.BlockSpec((BLK, D), row_idx),
            pl.BlockSpec((1, H, D), exp_idx3),
            pl.BlockSpec((1, H, D), exp_idx3),
            pl.BlockSpec((1, D, H), exp_idx3),
            pl.BlockSpec((1, 1, D), exp_idx3),
            pl.BlockSpec((1, 1, D), exp_idx3),
            pl.BlockSpec((1, 1, H), exp_idx3),
            pl.BlockSpec((1, 1, H), exp_idx3),
            pl.BlockSpec((1, 1, D), exp_idx3),
        ],
        out_specs=pl.BlockSpec((BLK, D), row_idx),
    )
    return pl.pallas_call(
        _gmm_body,
        grid_spec=grid_spec,
        out_shape=jax.ShapeDtypeStruct((P, D), jnp.float32),
        compiler_params=pltpu.CompilerParams(vmem_limit_bytes=120 * 2**20),
    )(ntiles, te, xs, W1, W2, Wo,
      eng.reshape(E, 1, D), enb.reshape(E, 1, D),
      b1.reshape(E, 1, H), b2.reshape(E, 1, H), bo.reshape(E, 1, D))


TOK_W = N // NW
CCH = 16


def _combine_body(y_hbm, dest2_hbm, z0_hbm, z1_hbm, d_m,
                  r0a, r0b, r1a, r1b, semG0, semG1, semW0, semW1):
    wid = lax.axis_index("s") * NC + lax.axis_index("c")
    nch = TOK_W // CCH
    rbase = wid * nch
    pltpu.sync_copy(dest2_hbm.at[pl.ds(rbase, nch)], d_m.at[pl.ds(0, nch)])
    pltpu.sync_copy(dest2_hbm.at[pl.ds(N // CCH + rbase, nch)],
                    d_m.at[pl.ds(nch, nch)])
    r0 = (r0a, r0b)
    r1 = (r1a, r1b)
    semG = (semG0, semG1)
    semW = (semW0, semW1)
    gt = [None] * nch
    wr = [None] * nch
    gt[0] = (pltpu.async_copy(y_hbm.at[d_m.at[0]], r0[0], semG[0]),
             pltpu.async_copy(y_hbm.at[d_m.at[nch]], r1[0], semG[0]))
    for c in range(nch):
        nb = wid * TOK_W + c * CCH
        gt[c][0].wait()
        gt[c][1].wait()
        wr[c] = (pltpu.async_copy(r0[c % 2], z0_hbm.at[pl.ds(nb, CCH)],
                                  semW[c % 2]),
                 pltpu.async_copy(r1[c % 2], z1_hbm.at[pl.ds(nb, CCH)],
                                  semW[c % 2]))
        if c + 1 < nch:
            if c >= 1:
                wr[c - 1][0].wait()
                wr[c - 1][1].wait()
            gt[c + 1] = (pltpu.async_copy(y_hbm.at[d_m.at[c + 1]],
                                          r0[(c + 1) % 2], semG[(c + 1) % 2]),
                         pltpu.async_copy(y_hbm.at[d_m.at[nch + c + 1]],
                                          r1[(c + 1) % 2], semG[(c + 1) % 2]))
    wr[nch - 2][0].wait()
    wr[nch - 2][1].wait()
    wr[nch - 1][0].wait()
    wr[nch - 1][1].wait()


def _combine_gather(y, destf):
    f = pl.kernel(
        _combine_body,
        out_type=[
            jax.ShapeDtypeStruct((N, D), jnp.float32),
            jax.ShapeDtypeStruct((N, D), jnp.float32),
        ],
        mesh=_sc_mesh(),
        scratch_types=[
            pltpu.VMEM((2 * (TOK_W // CCH), CCH), jnp.int32),
            pltpu.VMEM((CCH, D), jnp.float32),
            pltpu.VMEM((CCH, D), jnp.float32),
            pltpu.VMEM((CCH, D), jnp.float32),
            pltpu.VMEM((CCH, D), jnp.float32),
            pltpu.SemaphoreType.DMA,
            pltpu.SemaphoreType.DMA,
            pltpu.SemaphoreType.DMA,
            pltpu.SemaphoreType.DMA,
        ],
    )
    return f(y, destf.reshape(A // CCH, CCH))


def _blend_body(z0_ref, z1_ref, g0_ref, g1_ref, out_ref):
    out_ref[...] = g0_ref[...] * z0_ref[...] + g1_ref[...] * z1_ref[...]


def _blend(z0, z1, g0, g1):
    return pl.pallas_call(
        _blend_body,
        grid=(N // BN,),
        in_specs=[
            pl.BlockSpec((BN, D), lambda i: (i, 0)),
            pl.BlockSpec((BN, D), lambda i: (i, 0)),
            pl.BlockSpec((BN, 1), lambda i: (i, 0)),
            pl.BlockSpec((BN, 1), lambda i: (i, 0)),
        ],
        out_specs=pl.BlockSpec((BN, D), lambda i: (i, 0)),
        out_shape=jax.ShapeDtypeStruct((N, D), jnp.float32),
    )(z0, z1, g0, g1)


def kernel(x, ln_g, ln_b, Wr, eng, enb, W1, b1, W2, b2, Wo, bo):
    assert x.shape == (1, N, D)
    xf = x.reshape(N, D)
    ln2, idx, gate = _router(xf, ln_g.reshape(1, D), ln_b.reshape(1, D), Wr)
    idxT = idx.T.reshape(GR, AW)
    dest2, te2, nt2 = _plan(idxT)
    destf = dest2.reshape(A)
    xs = _dispatch(ln2, destf)
    y = _gmm(nt2.reshape(1), te2.reshape(TE_PAD), xs,
             W1, W2, Wo, eng, enb, b1, b2, bo)
    z0, z1 = _combine_gather(y, destf)
    out = _blend(z0, z1, gate[:, 0:1], gate[:, 1:2])
    return out.reshape(x.shape)

# --- scband reference (transcript-rebuilt; emitter-appended) ---
"""Pipeline reference for scband-mo-efeed-forward-13932873909331 (READ-ONLY COPY).

The authoritative reference and input builder live on the scoring server;
editing this copy changes nothing except your own understanding.
"""

import jax, jax.numpy as jnp
import numpy as np

B, T, D, H, E, K = 1, 2048, 1024, 2048, 8, 2

def layernorm(x, g, b, eps=1e-5):
    m = x.mean(-1, keepdims=True)
    v = x.var(-1, keepdims=True)
    return (x - m) / jnp.sqrt(v + eps) * g + b

def setup_inputs(seed: int = 0) -> dict:
    key = jax.random.key(seed)
    ks = jax.random.split(key, 6)
    s = 0.02
    return {
        "x": jax.random.normal(ks[0], (B, T, D), dtype=jnp.float32),
        "ln_g": jnp.ones((D,), jnp.float32),
        "ln_b": jnp.zeros((D,), jnp.float32),
        "Wr": jax.random.normal(ks[1], (E, D), dtype=jnp.float32) * s,
        "eng": jnp.ones((E, D), jnp.float32),
        "enb": jnp.zeros((E, D), jnp.float32),
        "W1": jax.random.normal(ks[2], (E, H, D), dtype=jnp.float32) * s,
        "b1": jnp.zeros((E, H), jnp.float32),
        "W2": jax.random.normal(ks[3], (E, H, D), dtype=jnp.float32) * s,
        "b2": jnp.zeros((E, H), jnp.float32),
        "Wo": jax.random.normal(ks[4], (E, D, H), dtype=jnp.float32) * s,
        "bo": jnp.zeros((E, D), jnp.float32),
    }

def reference(x, ln_g, ln_b, Wr, eng, enb, W1, b1, W2, b2, Wo, bo):
    # eval mode: no expert dropout, no noisy gating, dropout inactive, aux_loss = 0.0
    Bx, Tx, Dx = x.shape
    x_flat = layernorm(x.reshape(-1, Dx), ln_g, ln_b)
    router_logits = x_flat @ Wr.T  # [N, E]
    topk_scores, topk_idx = jax.lax.top_k(router_logits, K)  # [N, K]
    gate = jax.nn.softmax(topk_scores, axis=-1)

    def expert(ng, nb, w1, bb1, w2, bb2, wo, bbo):
        h = layernorm(x_flat, ng, nb)
        x1 = h @ w1.T + bb1
        x2 = h @ w2.T + bb2
        g = jnp.clip(x2, -20.0, 20.0)
        g = g * jax.nn.sigmoid(g)
        hid = jnp.clip(x1 * g, -10000.0, 10000.0)
        return jnp.clip(hid @ wo.T + bbo, -10000.0, 10000.0)

    outs = jax.vmap(expert)(eng, enb, W1, b1, W2, b2, Wo, bo)  # [E, N, D]
    outs_t = jnp.transpose(outs, (1, 0, 2))  # [N, E, D]
    sel = jnp.take_along_axis(outs_t, topk_idx[:, :, None], axis=1)  # [N, K, D]
    out = (gate[:, :, None] * sel).sum(axis=1)  # [N, D]
    return out.reshape(Bx, Tx, Dx)

if __name__ == "__main__":
    import jax
    _d = setup_inputs()
    print(jax.jit(kernel)(*tuple(_d.values())))

</pallas_src>

<mosaic_0001>
#map = affine_map<(d0, d1) -> (0, 0)>
module attributes {stable_mosaic.version = 14 : i64} {
  func.func @_dispatch_body(%arg0: i32, %arg1: i32, %arg2: memref<2048x1024xf32, #tpu.memory_space<hbm>>, %arg3: memref<128x32xi32, #tpu.memory_space<hbm>>, %arg4: memref<8040x1024xf32, #tpu.memory_space<hbm>>, %arg5: memref<4x32xi32, #tpu.memory_space<vmem>>, %arg6: memref<32x1024xf32, #tpu.memory_space<vmem>>, %arg7: memref<32x1024xf32, #tpu.memory_space<vmem>>, %arg8: memref<!tpu.dma_semaphore, #tpu.memory_space<semaphore_mem>>, %arg9: memref<!tpu.dma_semaphore, #tpu.memory_space<semaphore_mem>>, %arg10: memref<!tpu.dma_semaphore, #tpu.memory_space<semaphore_mem>>, %arg11: memref<!tpu.dma_semaphore, #tpu.memory_space<semaphore_mem>>) attributes {dimension_semantics = [#tpu.dimension_semantics<core_parallel>, #tpu.dimension_semantics<subcore_parallel>], iteration_bounds = array<i64: 2, 16>, scalar_prefetch = 0 : i64, scratch_operands = 7 : i64, tpu.core_type = #tpu.core_type<sc_vector_subcore>, window_params = [{transform_indices = #map}, {transform_indices = #map}, {transform_indices = #map}]} {
    %mul3A = arith.constant 2 : i32
    %mul3A_0 = arith.muli %arg1, %mul3A : i32
    %add3A = arith.addi %mul3A_0, %arg0 : i32
    %mul3A_1 = arith.constant 4 : i32
    %mul3A_2 = arith.muli %add3A, %mul3A_1 : i32
    %mul3A_3 = arith.constant 128 : i32
    %mul3A_4 = arith.muli %add3A, %mul3A_3 : i32
    %jit3A = arith.constant 2048 : i32
    %eq3A = arith.constant 0 : i32
    %eq3A_5 = arith.cmpi eq, %jit3A, %eq3A : i32
    %jit3A_6 = arith.constant 1 : i32
    %select_n3A = arith.select %eq3A_5, %jit3A_6, %jit3A : i32
    %rem3A = arith.remsi %mul3A_4, %select_n3A : i32
    %ne3A = arith.constant 0 : i32
    %ne3A_7 = arith.cmpi ne, %rem3A, %ne3A : i32
    %lt3A = arith.constant 0 : i32
    %lt3A_8 = arith.cmpi slt, %rem3A, %lt3A : i32
    %lt3A_9 = arith.constant 0 : i32
    %lt3A_10 = arith.cmpi slt, %select_n3A, %lt3A_9 : i32
    %ne3A_11 = arith.xori %lt3A_8, %lt3A_10 : i1
    %and3A = arith.andi %ne3A_11, %ne3A_7 : i1
    %add3A_12 = arith.addi %rem3A, %select_n3A : i32
    %select_n3A_13 = arith.select %and3A, %add3A_12, %rem3A : i32
    "tpu.region"() ({
      %run_scoped3A = tpu.sem_alloc : memref<!tpu.dma_semaphore, #tpu.memory_space<semaphore_mem>>
      %dma_start3A_106 = arith.constant 0 : i32
      %dma_start3A_107 = tpu.memref_slice %arg3[%mul3A_2, %dma_start3A_106] : memref<128x32xi32, #tpu.memory_space<hbm>> -> memref<4x32xi32, #tpu.memory_space<hbm>>
      %dma_start3A_108 = arith.constant 0 : i32
      %dma_start3A_109 = tpu.memref_slice %arg3[%mul3A_2, %dma_start3A_108] : memref<128x32xi32, #tpu.memory_space<hbm>> -> memref<4x32xi32, #tpu.memory_space<hbm>>
      tpu.enqueue_dma source(%dma_start3A_109 : memref<4x32xi32, #tpu.memory_space<hbm>>) target(%arg5 : memref<4x32xi32, #tpu.memory_space<vmem>>) target_semaphore(%run_scoped3A : memref<!tpu.dma_semaphore, #tpu.memory_space<semaphore_mem>>)
      %dma_wait3A_110 = arith.constant 0 : i32
      %dma_wait3A_111 = tpu.memref_slice %arg3[%mul3A_2, %dma_wait3A_110] : memref<128x32xi32, #tpu.memory_space<hbm>> -> memref<4x32xi32, #tpu.memory_space<hbm>>
      %dma_wait3A_112 = arith.constant 0 : i32
      %dma_wait3A_113 = tpu.memref_slice %arg3[%mul3A_2, %dma_wait3A_112] : memref<128x32xi32, #tpu.memory_space<hbm>> -> memref<4x32xi32, #tpu.memory_space<hbm>>
      tpu.wait_dma2 semaphore(%run_scoped3A : memref<!tpu.dma_semaphore, #tpu.memory_space<semaphore_mem>>) src(%dma_wait3A_113 : memref<4x32xi32, #tpu.memory_space<hbm>>) dst(%arg5 : memref<4x32xi32, #tpu.memory_space<vmem>>)
      tpu.yield
    }) : () -> ()
    %dma_start3A = arith.constant 0 : i32
    %dma_start3A_14 = tpu.memref_slice %arg2[%select_n3A_13, %dma_start3A] : memref<2048x1024xf32, #tpu.memory_space<hbm>> -> memref<32x1024xf32, #tpu.memory_space<hbm>>
    %dma_start3A_15 = arith.constant 0 : i32
    %dma_start3A_16 = tpu.memref_slice %arg2[%select_n3A_13, %dma_start3A_15] : memref<2048x1024xf32, #tpu.memory_space<hbm>> -> memref<32x1024xf32, #tpu.memory_space<hbm>>
    tpu.enqueue_dma source(%dma_start3A_16 : memref<32x1024xf32, #tpu.memory_space<hbm>>) target(%arg6 : memref<32x1024xf32, #tpu.memory_space<vmem>>) target_semaphore(%arg8 : memref<!tpu.dma_semaphore, #tpu.memory_space<semaphore_mem>>)
    %dma_wait3A = arith.constant 0 : i32
    %dma_wait3A_17 = tpu.memref_slice %arg2[%select_n3A_13, %dma_wait3A] : memref<2048x1024xf32, #tpu.memory_space<hbm>> -> memref<32x1024xf32, #tpu.memory_space<hbm>>
    %dma_wait3A_18 = arith.constant 0 : i32
    %dma_wait3A_19 = tpu.memref_slice %arg2[%select_n3A_13, %dma_wait3A_18] : memref<2048x1024xf32, #tpu.memory_space<hbm>> -> memref<32x1024xf32, #tpu.memory_space<hbm>>
    tpu.wait_dma2 semaphore(%arg8 : memref<!tpu.dma_semaphore, #tpu.memory_space<semaphore_mem>>) src(%dma_wait3A_19 : memref<32x1024xf32, #tpu.memory_space<hbm>>) dst(%arg6 : memref<32x1024xf32, #tpu.memory_space<vmem>>)
    %dma_start3A_20 = arith.constant 0 : i32
    %dma_start3A_21 = arith.constant 0 : i32
    %dma_start3A_22 = tpu.memref_slice %arg5[%dma_start3A_20, %dma_start3A_21] : memref<4x32xi32, #tpu.memory_space<vmem>> -> memref<1x32xi32, #tpu.memory_space<vmem>>
    %dma_start3A_23 = tpu.memref_squeeze %dma_start3A_22 : memref<1x32xi32, #tpu.memory_space<vmem>> -> memref<32xi32, #tpu.memory_space<vmem>>
    %dma_start3A_24 = arith.constant 0 : i32
    %dma_start3A_25 = arith.constant 0 : i32
    %dma_start3A_26 = tpu.memref_slice %arg4[%dma_start3A_24, %dma_start3A_25] : memref<8040x1024xf32, #tpu.memory_space<hbm>> -> memref<8040x1024xf32, #tpu.memory_space<hbm>>
    tpu.enqueue_indirect_dma source(%arg6 : memref<32x1024xf32, #tpu.memory_space<vmem>>) target(%dma_start3A_26 : memref<8040x1024xf32, #tpu.memory_space<hbm>>) offsets(%dma_start3A_23 : memref<32xi32, #tpu.memory_space<vmem>>) semaphore(%arg10 : memref<!tpu.dma_semaphore, #tpu.memory_space<semaphore_mem>>)
    %add3A_27 = arith.constant 32 : i32
    %add3A_28 = arith.addi %select_n3A_13, %add3A_27 : i32
    %dma_start3A_29 = arith.constant 0 : i32
    %dma_start3A_30 = tpu.memref_slice %arg2[%add3A_28, %dma_start3A_29] : memref<2048x1024xf32, #tpu.memory_space<hbm>> -> memref<32x1024xf32, #tpu.memory_space<hbm>>
    %dma_start3A_31 = arith.constant 0 : i32
    %dma_start3A_32 = tpu.memref_slice %arg2[%add3A_28, %dma_start3A_31] : memref<2048x1024xf32, #tpu.memory_space<hbm>> -> memref<32x1024xf32, #tpu.memory_space<hbm>>
    tpu.enqueue_dma source(%dma_start3A_32 : memref<32x1024xf32, #tpu.memory_space<hbm>>) target(%arg7 : memref<32x1024xf32, #tpu.memory_space<vmem>>) target_semaphore(%arg9 : memref<!tpu.dma_semaphore, #tpu.memory_space<semaphore_mem>>)
    %dma_wait3A_33 = arith.constant 0 : i32
    %dma_wait3A_34 = tpu.memref_slice %arg2[%add3A_28, %dma_wait3A_33] : memref<2048x1024xf32, #tpu.memory_space<hbm>> -> memref<32x1024xf32, #tpu.memory_space<hbm>>
    %dma_wait3A_35 = arith.constant 0 : i32
    %dma_wait3A_36 = tpu.memref_slice %arg2[%add3A_28, %dma_wait3A_35] : memref<2048x1024xf32, #tpu.memory_space<hbm>> -> memref<32x1024xf32, #tpu.memory_space<hbm>>
    tpu.wait_dma2 semaphore(%arg9 : memref<!tpu.dma_semaphore, #tpu.memory_space<semaphore_mem>>) src(%dma_wait3A_36 : memref<32x1024xf32, #tpu.memory_space<hbm>>) dst(%arg7 : memref<32x1024xf32, #tpu.memory_space<vmem>>)
    %dma_start3A_37 = arith.constant 1 : i32
    %dma_start3A_38 = arith.constant 0 : i32
    %dma_start3A_39 = tpu.memref_slice %arg5[%dma_start3A_37, %dma_start3A_38] : memref<4x32xi32, #tpu.memory_space<vmem>> -> memref<1x32xi32, #tpu.memory_space<vmem>>
    %dma_start3A_40 = tpu.memref_squeeze %dma_start3A_39 : memref<1x32xi32, #tpu.memory_space<vmem>> -> memref<32xi32, #tpu.memory_space<vmem>>
    %dma_start3A_41 = arith.constant 0 : i32
    %dma_start3A_42 = arith.constant 0 : i32
    %dma_start3A_43 = tpu.memref_slice %arg4[%dma_start3A_41, %dma_start3A_42] : memref<8040x1024xf32, #tpu.memory_space<hbm>> -> memref<8040x1024xf32, #tpu.memory_space<hbm>>
    tpu.enqueue_indirect_dma source(%arg7 : memref<32x1024xf32, #tpu.memory_space<vmem>>) target(%dma_start3A_43 : memref<8040x1024xf32, #tpu.memory_space<hbm>>) offsets(%dma_start3A_40 : memref<32xi32, #tpu.memory_space<vmem>>) semaphore(%arg11 : memref<!tpu.dma_semaphore, #tpu.memory_space<semaphore_mem>>)
    %dma_wait3A_44 = arith.constant 0 : i32
    %dma_wait3A_45 = arith.constant 0 : i32
    %dma_wait3A_46 = tpu.memref_slice %arg5[%dma_wait3A_44, %dma_wait3A_45] : memref<4x32xi32, #tpu.memory_space<vmem>> -> memref<1x32xi32, #tpu.memory_space<vmem>>
    %dma_wait3A_47 = tpu.memref_squeeze %dma_wait3A_46 : memref<1x32xi32, #tpu.memory_space<vmem>> -> memref<32xi32, #tpu.memory_space<vmem>>
    %dma_wait3A_48 = arith.constant 0 : i32
    %dma_wait3A_49 = arith.constant 0 : i32
    %dma_wait3A_50 = tpu.memref_slice %arg4[%dma_wait3A_48, %dma_wait3A_49] : memref<8040x1024xf32, #tpu.memory_space<hbm>> -> memref<8040x1024xf32, #tpu.memory_space<hbm>>
    tpu.wait_indirect_dma semaphore(%arg10 : memref<!tpu.dma_semaphore, #tpu.memory_space<semaphore_mem>>) src(%arg6 : memref<32x1024xf32, #tpu.memory_space<vmem>>) dst(%dma_wait3A_50 : memref<8040x1024xf32, #tpu.memory_space<hbm>>)
    %add3A_51 = arith.constant 64 : i32
    %add3A_52 = arith.addi %select_n3A_13, %add3A_51 : i32
    %dma_start3A_53 = arith.constant 0 : i32
    %dma_start3A_54 = tpu.memref_slice %arg2[%add3A_52, %dma_start3A_53] : memref<2048x1024xf32, #tpu.memory_space<hbm>> -> memref<32x1024xf32, #tpu.memory_space<hbm>>
    %dma_start3A_55 = arith.constant 0 : i32
    %dma_start3A_56 = tpu.memref_slice %arg2[%add3A_52, %dma_start3A_55] : memref<2048x1024xf32, #tpu.memory_space<hbm>> -> memref<32x1024xf32, #tpu.memory_space<hbm>>
    tpu.enqueue_dma source(%dma_start3A_56 : memref<32x1024xf32, #tpu.memory_space<hbm>>) target(%arg6 : memref<32x1024xf32, #tpu.memory_space<vmem>>) target_semaphore(%arg8 : memref<!tpu.dma_semaphore, #tpu.memory_space<semaphore_mem>>)
    %dma_wait3A_57 = arith.constant 0 : i32
    %dma_wait3A_58 = tpu.memref_slice %arg2[%add3A_52, %dma_wait3A_57] : memref<2048x1024xf32, #tpu.memory_space<hbm>> -> memref<32x1024xf32, #tpu.memory_space<hbm>>
    %dma_wait3A_59 = arith.constant 0 : i32
    %dma_wait3A_60 = tpu.memref_slice %arg2[%add3A_52, %dma_wait3A_59] : memref<2048x1024xf32, #tpu.memory_space<hbm>> -> memref<32x1024xf32, #tpu.memory_space<hbm>>
    tpu.wait_dma2 semaphore(%arg8 : memref<!tpu.dma_semaphore, #tpu.memory_space<semaphore_mem>>) src(%dma_wait3A_60 : memref<32x1024xf32, #tpu.memory_space<hbm>>) dst(%arg6 : memref<32x1024xf32, #tpu.memory_space<vmem>>)
    %dma_start3A_61 = arith.constant 2 : i32
    %dma_start3A_62 = arith.constant 0 : i32
    %dma_start3A_63 = tpu.memref_slice %arg5[%dma_start3A_61, %dma_start3A_62] : memref<4x32xi32, #tpu.memory_space<vmem>> -> memref<1x32xi32, #tpu.memory_space<vmem>>
    %dma_start3A_64 = tpu.memref_squeeze %dma_start3A_63 : memref<1x32xi32, #tpu.memory_space<vmem>> -> memref<32xi32, #tpu.memory_space<vmem>>
    %dma_start3A_65 = arith.constant 0 : i32
    %dma_start3A_66 = arith.constant 0 : i32
    %dma_start3A_67 = tpu.memref_slice %arg4[%dma_start3A_65, %dma_start3A_66] : memref<8040x1024xf32, #tpu.memory_space<hbm>> -> memref<8040x1024xf32, #tpu.memory_space<hbm>>
    tpu.enqueue_indirect_dma source(%arg6 : memref<32x1024xf32, #tpu.memory_space<vmem>>) target(%dma_start3A_67 : memref<8040x1024xf32, #tpu.memory_space<hbm>>) offsets(%dma_start3A_64 : memref<32xi32, #tpu.memory_space<vmem>>) semaphore(%arg10 : memref<!tpu.dma_semaphore, #tpu.memory_space<semaphore_mem>>)
    %dma_wait3A_68 = arith.constant 1 : i32
    %dma_wait3A_69 = arith.constant 0 : i32
    %dma_wait3A_70 = tpu.memref_slice %arg5[%dma_wait3A_68, %dma_wait3A_69] : memref<4x32xi32, #tpu.memory_space<vmem>> -> memref<1x32xi32, #tpu.memory_space<vmem>>
    %dma_wait3A_71 = tpu.memref_squeeze %dma_wait3A_70 : memref<1x32xi32, #tpu.memory_space<vmem>> -> memref<32xi32, #tpu.memory_space<vmem>>
    %dma_wait3A_72 = arith.constant 0 : i32
    %dma_wait3A_73 = arith.constant 0 : i32
    %dma_wait3A_74 = tpu.memref_slice %arg4[%dma_wait3A_72, %dma_wait3A_73] : memref<8040x1024xf32, #tpu.memory_space<hbm>> -> memref<8040x1024xf32, #tpu.memory_space<hbm>>
    tpu.wait_indirect_dma semaphore(%arg11 : memref<!tpu.dma_semaphore, #tpu.memory_space<semaphore_mem>>) src(%arg7 : memref<32x1024xf32, #tpu.memory_space<vmem>>) dst(%dma_wait3A_74 : memref<8040x1024xf32, #tpu.memory_space<hbm>>)
    %add3A_75 = arith.constant 96 : i32
    %add3A_76 = arith.addi %select_n3A_13, %add3A_75 : i32
    %dma_start3A_77 = arith.constant 0 : i32
    %dma_start3A_78 = tpu.memref_slice %arg2[%add3A_76, %dma_start3A_77] : memref<2048x1024xf32, #tpu.memory_space<hbm>> -> memref<32x1024xf32, #tpu.memory_space<hbm>>
    %dma_start3A_79 = arith.constant 0 : i32
    %dma_start3A_80 = tpu.memref_slice %arg2[%add3A_76, %dma_start3A_79] : memref<2048x1024xf32, #tpu.memory_space<hbm>> -> memref<32x1024xf32, #tpu.memory_space<hbm>>
    tpu.enqueue_dma source(%dma_start3A_80 : memref<32x1024xf32, #tpu.memory_space<hbm>>) target(%arg7 : memref<32x1024xf32, #tpu.memory_space<vmem>>) target_semaphore(%arg9 : memref<!tpu.dma_semaphore, #tpu.memory_space<semaphore_mem>>)
    %dma_wait3A_81 = arith.constant 0 : i32
    %dma_wait3A_82 = tpu.memref_slice %arg2[%add3A_76, %dma_wait3A_81] : memref<2048x1024xf32, #tpu.memory_space<hbm>> -> memref<32x1024xf32, #tpu.memory_space<hbm>>
    %dma_wait3A_83 = arith.constant 0 : i32
    %dma_wait3A_84 = tpu.memref_slice %arg2[%add3A_76, %dma_wait3A_83] : memref<2048x1024xf32, #tpu.memory_space<hbm>> -> memref<32x1024xf32, #tpu.memory_space<hbm>>
    tpu.wait_dma2 semaphore(%arg9 : memref<!tpu.dma_semaphore, #tpu.memory_space<semaphore_mem>>) src(%dma_wait3A_84 : memref<32x1024xf32, #tpu.memory_space<hbm>>) dst(%arg7 : memref<32x1024xf32, #tpu.memory_space<vmem>>)
    %dma_start3A_85 = arith.constant 3 : i32
    %dma_start3A_86 = arith.constant 0 : i32
    %dma_start3A_87 = tpu.memref_slice %arg5[%dma_start3A_85, %dma_start3A_86] : memref<4x32xi32, #tpu.memory_space<vmem>> -> memref<1x32xi32, #tpu.memory_space<vmem>>
    %dma_start3A_88 = tpu.memref_squeeze %dma_start3A_87 : memref<1x32xi32, #tpu.memory_space<vmem>> -> memref<32xi32, #tpu.memory_space<vmem>>
    %dma_start3A_89 = arith.constant 0 : i32
    %dma_start3A_90 = arith.constant 0 : i32
    %dma_start3A_91 = tpu.memref_slice %arg4[%dma_start3A_89, %dma_start3A_90] : memref<8040x1024xf32, #tpu.memory_space<hbm>> -> memref<8040x1024xf32, #tpu.memory_space<hbm>>
    tpu.enqueue_indirect_dma source(%arg7 : memref<32x1024xf32, #tpu.memory_space<vmem>>) target(%dma_start3A_91 : memref<8040x1024xf32, #tpu.memory_space<hbm>>) offsets(%dma_start3A_88 : memref<32xi32, #tpu.memory_space<vmem>>) semaphore(%arg11 : memref<!tpu.dma_semaphore, #tpu.memory_space<semaphore_mem>>)
    %dma_wait3A_92 = arith.constant 2 : i32
    %dma_wait3A_93 = arith.constant 0 : i32
    %dma_wait3A_94 = tpu.memref_slice %arg5[%dma_wait3A_92, %dma_wait3A_93] : memref<4x32xi32, #tpu.memory_space<vmem>> -> memref<1x32xi32, #tpu.memory_space<vmem>>
    %dma_wait3A_95 = tpu.memref_squeeze %dma_wait3A_94 : memref<1x32xi32, #tpu.memory_space<vmem>> -> memref<32xi32, #tpu.memory_space<vmem>>
    %dma_wait3A_96 = arith.constant 0 : i32
    %dma_wait3A_97 = arith.constant 0 : i32
    %dma_wait3A_98 = tpu.memref_slice %arg4[%dma_wait3A_96, %dma_wait3A_97] : memref<8040x1024xf32, #tpu.memory_space<hbm>> -> memref<8040x1024xf32, #tpu.memory_space<hbm>>
    tpu.wait_indirect_dma semaphore(%arg10 : memref<!tpu.dma_semaphore, #tpu.memory_space<semaphore_mem>>) src(%arg6 : memref<32x1024xf32, #tpu.memory_space<vmem>>) dst(%dma_wait3A_98 : memref<8040x1024xf32, #tpu.memory_space<hbm>>)
    %dma_wait3A_99 = arith.constant 3 : i32
    %dma_wait3A_100 = arith.constant 0 : i32
    %dma_wait3A_101 = tpu.memref_slice %arg5[%dma_wait3A_99, %dma_wait3A_100] : memref<4x32xi32, #tpu.memory_space<vmem>> -> memref<1x32xi32, #tpu.memory_space<vmem>>
    %dma_wait3A_102 = tpu.memref_squeeze %dma_wait3A_101 : memref<1x32xi32, #tpu.memory_space<vmem>> -> memref<32xi32, #tpu.memory_space<vmem>>
    %dma_wait3A_103 = arith.constant 0 : i32
    %dma_wait3A_104 = arith.constant 0 : i32
    %dma_wait3A_105 = tpu.memref_slice %arg4[%dma_wait3A_103, %dma_wait3A_104] : memref<8040x1024xf32, #tpu.memory_space<hbm>> -> memref<8040x1024xf32, #tpu.memory_space<hbm>>
    tpu.wait_indirect_dma semaphore(%arg11 : memref<!tpu.dma_semaphore, #tpu.memory_space<semaphore_mem>>) src(%arg7 : memref<32x1024xf32, #tpu.memory_space<vmem>>) dst(%dma_wait3A_105 : memref<8040x1024xf32, #tpu.memory_space<hbm>>)
    return
  }
}

#map = affine_map<(d0, d1) -> (0, 0)>
module attributes {stable_mosaic.version = 14 : i64} {
  func.func @_combine_body(%arg0: i32, %arg1: i32, %arg2: memref<8040x1024xf32, #tpu.memory_space<hbm>>, %arg3: memref<256x16xi32, #tpu.memory_space<hbm>>, %arg4: memref<2048x1024xf32, #tpu.memory_space<hbm>>, %arg5: memref<2048x1024xf32, #tpu.memory_space<hbm>>, %arg6: memref<8x16xi32, #tpu.memory_space<vmem>>, %arg7: memref<16x1024xf32, #tpu.memory_space<vmem>>, %arg8: memref<16x1024xf32, #tpu.memory_space<vmem>>, %arg9: memref<16x1024xf32, #tpu.memory_space<vmem>>, %arg10: memref<16x1024xf32, #tpu.memory_space<vmem>>, %arg11: memref<!tpu.dma_semaphore, #tpu.memory_space<semaphore_mem>>, %arg12: memref<!tpu.dma_semaphore, #tpu.memory_space<semaphore_mem>>, %arg13: memref<!tpu.dma_semaphore, #tpu.memory_space<semaphore_mem>>, %arg14: memref<!tpu.dma_semaphore, #tpu.memory_space<semaphore_mem>>) attributes {dimension_semantics = [#tpu.dimension_semantics<core_parallel>, #tpu.dimension_semantics<subcore_parallel>], iteration_bounds = array<i64: 2, 16>, scalar_prefetch = 0 : i64, scratch_operands = 9 : i64, tpu.core_type = #tpu.core_type<sc_vector_subcore>, window_params = [{transform_indices = #map}, {transform_indices = #map}, {transform_indices = #map}, {transform_indices = #map}]} {
    %mul3A = arith.constant 2 : i32
    %mul3A_0 = arith.muli %arg1, %mul3A : i32
    %add3A = arith.addi %mul3A_0, %arg0 : i32
    %mul3A_1 = arith.constant 4 : i32
    %mul3A_2 = arith.muli %add3A, %mul3A_1 : i32
    "tpu.region"() ({
      %run_scoped3A = tpu.sem_alloc : memref<!tpu.dma_semaphore, #tpu.memory_space<semaphore_mem>>
      %dma_start3A_195 = arith.constant 0 : i32
      %dma_start3A_196 = arith.constant 0 : i32
      %dma_start3A_197 = tpu.memref_slice %arg6[%dma_start3A_195, %dma_start3A_196] : memref<8x16xi32, #tpu.memory_space<vmem>> -> memref<4x16xi32, #tpu.memory_space<vmem>>
      %dma_start3A_198 = arith.constant 0 : i32
      %dma_start3A_199 = tpu.memref_slice %arg3[%mul3A_2, %dma_start3A_198] : memref<256x16xi32, #tpu.memory_space<hbm>> -> memref<4x16xi32, #tpu.memory_space<hbm>>
      %dma_start3A_200 = arith.constant 0 : i32
      %dma_start3A_201 = arith.constant 0 : i32
      %dma_start3A_202 = tpu.memref_slice %arg6[%dma_start3A_200, %dma_start3A_201] : memref<8x16xi32, #tpu.memory_space<vmem>> -> memref<4x16xi32, #tpu.memory_space<vmem>>
      %dma_start3A_203 = arith.constant 0 : i32
      %dma_start3A_204 = tpu.memref_slice %arg3[%mul3A_2, %dma_start3A_203] : memref<256x16xi32, #tpu.memory_space<hbm>> -> memref<4x16xi32, #tpu.memory_space<hbm>>
      tpu.enqueue_dma source(%dma_start3A_204 : memref<4x16xi32, #tpu.memory_space<hbm>>) target(%dma_start3A_202 : memref<4x16xi32, #tpu.memory_space<vmem>>) target_semaphore(%run_scoped3A : memref<!tpu.dma_semaphore, #tpu.memory_space<semaphore_mem>>)
      %dma_wait3A_205 = arith.constant 0 : i32
      %dma_wait3A_206 = arith.constant 0 : i32
      %dma_wait3A_207 = tpu.memref_slice %arg6[%dma_wait3A_205, %dma_wait3A_206] : memref<8x16xi32, #tpu.memory_space<vmem>> -> memref<4x16xi32, #tpu.memory_space<vmem>>
      %dma_wait3A_208 = arith.constant 0 : i32
      %dma_wait3A_209 = tpu.memref_slice %arg3[%mul3A_2, %dma_wait3A_208] : memref<256x16xi32, #tpu.memory_space<hbm>> -> memref<4x16xi32, #tpu.memory_space<hbm>>
      %dma_wait3A_210 = arith.constant 0 : i32
      %dma_wait3A_211 = arith.constant 0 : i32
      %dma_wait3A_212 = tpu.memref_slice %arg6[%dma_wait3A_210, %dma_wait3A_211] : memref<8x16xi32, #tpu.memory_space<vmem>> -> memref<4x16xi32, #tpu.memory_space<vmem>>
      %dma_wait3A_213 = arith.constant 0 : i32
      %dma_wait3A_214 = tpu.memref_slice %arg3[%mul3A_2, %dma_wait3A_213] : memref<256x16xi32, #tpu.memory_space<hbm>> -> memref<4x16xi32, #tpu.memory_space<hbm>>
      tpu.wait_dma2 semaphore(%run_scoped3A : memref<!tpu.dma_semaphore, #tpu.memory_space<semaphore_mem>>) src(%dma_wait3A_214 : memref<4x16xi32, #tpu.memory_space<hbm>>) dst(%dma_wait3A_212 : memref<4x16xi32, #tpu.memory_space<vmem>>)
      tpu.yield
    }) : () -> ()
    %add3A_3 = arith.constant 128 : i32
    %add3A_4 = arith.addi %add3A_3, %mul3A_2 : i32
    "tpu.region"() ({
      %run_scoped3A = tpu.sem_alloc : memref<!tpu.dma_semaphore, #tpu.memory_space<semaphore_mem>>
      %dma_start3A_195 = arith.constant 4 : i32
      %dma_start3A_196 = arith.constant 0 : i32
      %dma_start3A_197 = tpu.memref_slice %arg6[%dma_start3A_195, %dma_start3A_196] : memref<8x16xi32, #tpu.memory_space<vmem>> -> memref<4x16xi32, #tpu.memory_space<vmem>>
      %dma_start3A_198 = arith.constant 0 : i32
      %dma_start3A_199 = tpu.memref_slice %arg3[%add3A_4, %dma_start3A_198] : memref<256x16xi32, #tpu.memory_space<hbm>> -> memref<4x16xi32, #tpu.memory_space<hbm>>
      %dma_start3A_200 = arith.constant 4 : i32
      %dma_start3A_201 = arith.constant 0 : i32
      %dma_start3A_202 = tpu.memref_slice %arg6[%dma_start3A_200, %dma_start3A_201] : memref<8x16xi32, #tpu.memory_space<vmem>> -> memref<4x16xi32, #tpu.memory_space<vmem>>
      %dma_start3A_203 = arith.constant 0 : i32
      %dma_start3A_204 = tpu.memref_slice %arg3[%add3A_4, %dma_start3A_203] : memref<256x16xi32, #tpu.memory_space<hbm>> -> memref<4x16xi32, #tpu.memory_space<hbm>>
      tpu.enqueue_dma source(%dma_start3A_204 : memref<4x16xi32, #tpu.memory_space<hbm>>) target(%dma_start3A_202 : memref<4x16xi32, #tpu.memory_space<vmem>>) target_semaphore(%run_scoped3A : memref<!tpu.dma_semaphore, #tpu.memory_space<semaphore_mem>>)
      %dma_wait3A_205 = arith.constant 4 : i32
      %dma_wait3A_206 = arith.constant 0 : i32
      %dma_wait3A_207 = tpu.memref_slice %arg6[%dma_wait3A_205, %dma_wait3A_206] : memref<8x16xi32, #tpu.memory_space<vmem>> -> memref<4x16xi32, #tpu.memory_space<vmem>>
      %dma_wait3A_208 = arith.constant 0 : i32
      %dma_wait3A_209 = tpu.memref_slice %arg3[%add3A_4, %dma_wait3A_208] : memref<256x16xi32, #tpu.memory_space<hbm>> -> memref<4x16xi32, #tpu.memory_space<hbm>>
      %dma_wait3A_210 = arith.constant 4 : i32
      %dma_wait3A_211 = arith.constant 0 : i32
      %dma_wait3A_212 = tpu.memref_slice %arg6[%dma_wait3A_210, %dma_wait3A_211] : memref<8x16xi32, #tpu.memory_space<vmem>> -> memref<4x16xi32, #tpu.memory_space<vmem>>
      %dma_wait3A_213 = arith.constant 0 : i32
      %dma_wait3A_214 = tpu.memref_slice %arg3[%add3A_4, %dma_wait3A_213] : memref<256x16xi32, #tpu.memory_space<hbm>> -> memref<4x16xi32, #tpu.memory_space<hbm>>
      tpu.wait_dma2 semaphore(%run_scoped3A : memref<!tpu.dma_semaphore, #tpu.memory_space<semaphore_mem>>) src(%dma_wait3A_214 : memref<4x16xi32, #tpu.memory_space<hbm>>) dst(%dma_wait3A_212 : memref<4x16xi32, #tpu.memory_space<vmem>>)
      tpu.yield
    }) : () -> ()
    %dma_start3A = arith.constant 0 : i32
    %dma_start3A_5 = arith.constant 0 : i32
    %dma_start3A_6 = tpu.memref_slice %arg6[%dma_start3A, %dma_start3A_5] : memref<8x16xi32, #tpu.memory_space<vmem>> -> memref<1x16xi32, #tpu.memory_space<vmem>>
    %dma_start3A_7 = tpu.memref_squeeze %dma_start3A_6 : memref<1x16xi32, #tpu.memory_space<vmem>> -> memref<16xi32, #tpu.memory_space<vmem>>
    %dma_start3A_8 = arith.constant 0 : i32
    %dma_start3A_9 = arith.constant 0 : i32
    %dma_start3A_10 = tpu.memref_slice %arg2[%dma_start3A_8, %dma_start3A_9] : memref<8040x1024xf32, #tpu.memory_space<hbm>> -> memref<8040x1024xf32, #tpu.memory_space<hbm>>
    tpu.enqueue_indirect_dma source(%dma_start3A_10 : memref<8040x1024xf32, #tpu.memory_space<hbm>>) target(%arg7 : memref<16x1024xf32, #tpu.memory_space<vmem>>) offsets(%dma_start3A_7 : memref<16xi32, #tpu.memory_space<vmem>>) semaphore(%arg11 : memref<!tpu.dma_semaphore, #tpu.memory_space<semaphore_mem>>)
    %dma_start3A_11 = arith.constant 4 : i32
    %dma_start3A_12 = arith.constant 0 : i32
    %dma_start3A_13 = tpu.memref_slice %arg6[%dma_start3A_11, %dma_start3A_12] : memref<8x16xi32, #tpu.memory_space<vmem>> -> memref<1x16xi32, #tpu.memory_space<vmem>>
    %dma_start3A_14 = tpu.memref_squeeze %dma_start3A_13 : memref<1x16xi32, #tpu.memory_space<vmem>> -> memref<16xi32, #tpu.memory_space<vmem>>
    %dma_start3A_15 = arith.constant 0 : i32
    %dma_start3A_16 = arith.constant 0 : i32
    %dma_start3A_17 = tpu.memref_slice %arg2[%dma_start3A_15, %dma_start3A_16] : memref<8040x1024xf32, #tpu.memory_space<hbm>> -> memref<8040x1024xf32, #tpu.memory_space<hbm>>
    tpu.enqueue_indirect_dma source(%dma_start3A_17 : memref<8040x1024xf32, #tpu.memory_space<hbm>>) target(%arg9 : memref<16x1024xf32, #tpu.memory_space<vmem>>) offsets(%dma_start3A_14 : memref<16xi32, #tpu.memory_space<vmem>>) semaphore(%arg11 : memref<!tpu.dma_semaphore, #tpu.memory_space<semaphore_mem>>)
    %mul3A_18 = arith.constant 64 : i32
    %mul3A_19 = arith.muli %add3A, %mul3A_18 : i32
    %add3A_20 = arith.constant 0 : i32
    %add3A_21 = arith.addi %mul3A_19, %add3A_20 : i32
    %dma_wait3A = arith.constant 0 : i32
    %dma_wait3A_22 = arith.constant 0 : i32
    %dma_wait3A_23 = tpu.memref_slice %arg6[%dma_wait3A, %dma_wait3A_22] : memref<8x16xi32, #tpu.memory_space<vmem>> -> memref<1x16xi32, #tpu.memory_space<vmem>>
    %dma_wait3A_24 = tpu.memref_squeeze %dma_wait3A_23 : memref<1x16xi32, #tpu.memory_space<vmem>> -> memref<16xi32, #tpu.memory_space<vmem>>
    %dma_wait3A_25 = arith.constant 0 : i32
    %dma_wait3A_26 = arith.constant 0 : i32
    %dma_wait3A_27 = tpu.memref_slice %arg2[%dma_wait3A_25, %dma_wait3A_26] : memref<8040x1024xf32, #tpu.memory_space<hbm>> -> memref<8040x1024xf32, #tpu.memory_space<hbm>>
    tpu.wait_indirect_dma semaphore(%arg11 : memref<!tpu.dma_semaphore, #tpu.memory_space<semaphore_mem>>) src(%dma_wait3A_27 : memref<8040x1024xf32, #tpu.memory_space<hbm>>) dst(%arg7 : memref<16x1024xf32, #tpu.memory_space<vmem>>)
    %dma_wait3A_28 = arith.constant 4 : i32
    %dma_wait3A_29 = arith.constant 0 : i32
    %dma_wait3A_30 = tpu.memref_slice %arg6[%dma_wait3A_28, %dma_wait3A_29] : memref<8x16xi32, #tpu.memory_space<vmem>> -> memref<1x16xi32, #tpu.memory_space<vmem>>
    %dma_wait3A_31 = tpu.memref_squeeze %dma_wait3A_30 : memref<1x16xi32, #tpu.memory_space<vmem>> -> memref<16xi32, #tpu.memory_space<vmem>>
    %dma_wait3A_32 = arith.constant 0 : i32
    %dma_wait3A_33 = arith.constant 0 : i32
    %dma_wait3A_34 = tpu.memref_slice %arg2[%dma_wait3A_32, %dma_wait3A_33] : memref<8040x1024xf32, #tpu.memory_space<hbm>> -> memref<8040x1024xf32, #tpu.memory_space<hbm>>
    tpu.wait_indirect_dma semaphore(%arg11 : memref<!tpu.dma_semaphore, #tpu.memory_space<semaphore_mem>>) src(%dma_wait3A_34 : memref<8040x1024xf32, #tpu.memory_space<hbm>>) dst(%arg9 : memref<16x1024xf32, #tpu.memory_space<vmem>>)
    %dma_start3A_35 = arith.constant 0 : i32
    %dma_start3A_36 = tpu.memref_slice %arg4[%add3A_21, %dma_start3A_35] : memref<2048x1024xf32, #tpu.memory_space<hbm>> -> memref<16x1024xf32, #tpu.memory_space<hbm>>
    %dma_start3A_37 = arith.constant 0 : i32
    %dma_start3A_38 = tpu.memref_slice %arg4[%add3A_21, %dma_start3A_37] : memref<2048x1024xf32, #tpu.memory_space<hbm>> -> memref<16x1024xf32, #tpu.memory_space<hbm>>
    tpu.enqueue_dma source(%arg7 : memref<16x1024xf32, #tpu.memory_space<vmem>>) target(%dma_start3A_38 : memref<16x1024xf32, #tpu.memory_space<hbm>>) target_semaphore(%arg13 : memref<!tpu.dma_semaphore, #tpu.memory_space<semaphore_mem>>)
    %dma_start3A_39 = arith.constant 0 : i32
    %dma_start3A_40 = tpu.memref_slice %arg5[%add3A_21, %dma_start3A_39] : memref<2048x1024xf32, #tpu.memory_space<hbm>> -> memref<16x1024xf32, #tpu.memory_space<hbm>>
    %dma_start3A_41 = arith.constant 0 : i32
    %dma_start3A_42 = tpu.memref_slice %arg5[%add3A_21, %dma_start3A_41] : memref<2048x1024xf32, #tpu.memory_space<hbm>> -> memref<16x1024xf32, #tpu.memory_space<hbm>>
    tpu.enqueue_dma source(%arg9 : memref<16x1024xf32, #tpu.memory_space<vmem>>) target(%dma_start3A_42 : memref<16x1024xf32, #tpu.memory_space<hbm>>) target_semaphore(%arg13 : memref<!tpu.dma_semaphore, #tpu.memory_space<semaphore_mem>>)
    %dma_start3A_43 = arith.constant 1 : i32
    %dma_start3A_44 = arith.constant 0 : i32
    %dma_start3A_45 = tpu.memref_slice %arg6[%dma_start3A_43, %dma_start3A_44] : memref<8x16xi32, #tpu.memory_space<vmem>> -> memref<1x16xi32, #tpu.memory_space<vmem>>
    %dma_start3A_46 = tpu.memref_squeeze %dma_start3A_45 : memref<1x16xi32, #tpu.memory_space<vmem>> -> memref<16xi32, #tpu.memory_space<vmem>>
    %dma_start3A_47 = arith.constant 0 : i32
    %dma_start3A_48 = arith.constant 0 : i32
    %dma_start3A_49 = tpu.memref_slice %arg2[%dma_start3A_47, %dma_start3A_48] : memref<8040x1024xf32, #tpu.memory_space<hbm>> -> memref<8040x1024xf32, #tpu.memory_space<hbm>>
    tpu.enqueue_indirect_dma source(%dma_start3A_49 : memref<8040x1024xf32, #tpu.memory_space<hbm>>) target(%arg8 : memref<16x1024xf32, #tpu.memory_space<vmem>>) offsets(%dma_start3A_46 : memref<16xi32, #tpu.memory_space<vmem>>) semaphore(%arg12 : memref<!tpu.dma_semaphore, #tpu.memory_space<semaphore_mem>>)
    %dma_start3A_50 = arith.constant 5 : i32
    %dma_start3A_51 = arith.constant 0 : i32
    %dma_start3A_52 = tpu.memref_slice %arg6[%dma_start3A_50, %dma_start3A_51] : memref<8x16xi32, #tpu.memory_space<vmem>> -> memref<1x16xi32, #tpu.memory_space<vmem>>
    %dma_start3A_53 = tpu.memref_squeeze %dma_start3A_52 : memref<1x16xi32, #tpu.memory_space<vmem>> -> memref<16xi32, #tpu.memory_space<vmem>>
    %dma_start3A_54 = arith.constant 0 : i32
    %dma_start3A_55 = arith.constant 0 : i32
    %dma_start3A_56 = tpu.memref_slice %arg2[%dma_start3A_54, %dma_start3A_55] : memref<8040x1024xf32, #tpu.memory_space<hbm>> -> memref<8040x1024xf32, #tpu.memory_space<hbm>>
    tpu.enqueue_indirect_dma source(%dma_start3A_56 : memref<8040x1024xf32, #tpu.memory_space<hbm>>) target(%arg10 : memref<16x1024xf32, #tpu.memory_space<vmem>>) offsets(%dma_start3A_53 : memref<16xi32, #tpu.memory_space<vmem>>) semaphore(%arg12 : memref<!tpu.dma_semaphore, #tpu.memory_space<semaphore_mem>>)
    %mul3A_57 = arith.constant 64 : i32
    %mul3A_58 = arith.muli %add3A, %mul3A_57 : i32
    %add3A_59 = arith.constant 16 : i32
    %add3A_60 = arith.addi %mul3A_58, %add3A_59 : i32
    %dma_wait3A_61 = arith.constant 1 : i32
    %dma_wait3A_62 = arith.constant 0 : i32
    %dma_wait3A_63 = tpu.memref_slice %arg6[%dma_wait3A_61, %dma_wait3A_62] : memref<8x16xi32, #tpu.memory_space<vmem>> -> memref<1x16xi32, #tpu.memory_space<vmem>>
    %dma_wait3A_64 = tpu.memref_squeeze %dma_wait3A_63 : memref<1x16xi32, #tpu.memory_space<vmem>> -> memref<16xi32, #tpu.memory_space<vmem>>
    %dma_wait3A_65 = arith.constant 0 : i32
    %dma_wait3A_66 = arith.constant 0 : i32
    %dma_wait3A_67 = tpu.memref_slice %arg2[%dma_wait3A_65, %dma_wait3A_66] : memref<8040x1024xf32, #tpu.memory_space<hbm>> -> memref<8040x1024xf32, #tpu.memory_space<hbm>>
    tpu.wait_indirect_dma semaphore(%arg12 : memref<!tpu.dma_semaphore, #tpu.memory_space<semaphore_mem>>) src(%dma_wait3A_67 : memref<8040x1024xf32, #tpu.memory_space<hbm>>) dst(%arg8 : memref<16x1024xf32, #tpu.memory_space<vmem>>)
    %dma_wait3A_68 = arith.constant 5 : i32
    %dma_wait3A_69 = arith.constant 0 : i32
    %dma_wait3A_70 = tpu.memref_slice %arg6[%dma_wait3A_68, %dma_wait3A_69] : memref<8x16xi32, #tpu.memory_space<vmem>> -> memref<1x16xi32, #tpu.memory_space<vmem>>
    %dma_wait3A_71 = tpu.memref_squeeze %dma_wait3A_70 : memref<1x16xi32, #tpu.memory_space<vmem>> -> memref<16xi32, #tpu.memory_space<vmem>>
    %dma_wait3A_72 = arith.constant 0 : i32
    %dma_wait3A_73 = arith.constant 0 : i32
    %dma_wait3A_74 = tpu.memref_slice %arg2[%dma_wait3A_72, %dma_wait3A_73] : memref<8040x1024xf32, #tpu.memory_space<hbm>> -> memref<8040x1024xf32, #tpu.memory_space<hbm>>
    tpu.wait_indirect_dma semaphore(%arg12 : memref<!tpu.dma_semaphore, #tpu.memory_space<semaphore_mem>>) src(%dma_wait3A_74 : memref<8040x1024xf32, #tpu.memory_space<hbm>>) dst(%arg10 : memref<16x1024xf32, #tpu.memory_space<vmem>>)
    %dma_start3A_75 = arith.constant 0 : i32
    %dma_start3A_76 = tpu.memref_slice %arg4[%add3A_60, %dma_start3A_75] : memref<2048x1024xf32, #tpu.memory_space<hbm>> -> memref<16x1024xf32, #tpu.memory_space<hbm>>
    %dma_start3A_77 = arith.constant 0 : i32
    %dma_start3A_78 = tpu.memref_slice %arg4[%add3A_60, %dma_start3A_77] : memref<2048x1024xf32, #tpu.memory_space<hbm>> -> memref<16x1024xf32, #tpu.memory_space<hbm>>
    tpu.enqueue_dma source(%arg8 : memref<16x1024xf32, #tpu.memory_space<vmem>>) target(%dma_start3A_78 : memref<16x1024xf32, #tpu.memory_space<hbm>>) target_semaphore(%arg14 : memref<!tpu.dma_semaphore, #tpu.memory_space<semaphore_mem>>)
    %dma_start3A_79 = arith.constant 0 : i32
    %dma_start3A_80 = tpu.memref_slice %arg5[%add3A_60, %dma_start3A_79] : memref<2048x1024xf32, #tpu.memory_space<hbm>> -> memref<16x1024xf32, #tpu.memory_space<hbm>>
    %dma_start3A_81 = arith.constant 0 : i32
    %dma_start3A_82 = tpu.memref_slice %arg5[%add3A_60, %dma_start3A_81] : memref<2048x1024xf32, #tpu.memory_space<hbm>> -> memref<16x1024xf32, #tpu.memory_space<hbm>>
    tpu.enqueue_dma source(%arg10 : memref<16x1024xf32, #tpu.memory_space<vmem>>) target(%dma_start3A_82 : memref<16x1024xf32, #tpu.memory_space<hbm>>) target_semaphore(%arg14 : memref<!tpu.dma_semaphore, #tpu.memory_space<semaphore_mem>>)
    %dma_wait3A_83 = arith.constant 0 : i32
    %dma_wait3A_84 = tpu.memref_slice %arg4[%add3A_21, %dma_wait3A_83] : memref<2048x1024xf32, #tpu.memory_space<hbm>> -> memref<16x1024xf32, #tpu.memory_space<hbm>>
    %dma_wait3A_85 = arith.constant 0 : i32
    %dma_wait3A_86 = tpu.memref_slice %arg4[%add3A_21, %dma_wait3A_85] : memref<2048x1024xf32, #tpu.memory_space<hbm>> -> memref<16x1024xf32, #tpu.memory_space<hbm>>
    tpu.wait_dma2 semaphore(%arg13 : memref<!tpu.dma_semaphore, #tpu.memory_space<semaphore_mem>>) src(%arg7 : memref<16x1024xf32, #tpu.memory_space<vmem>>) dst(%dma_wait3A_86 : memref<16x1024xf32, #tpu.memory_space<hbm>>)
    %dma_wait3A_87 = arith.constant 0 : i32
    %dma_wait3A_88 = tpu.memref_slice %arg5[%add3A_21, %dma_wait3A_87] : memref<2048x1024xf32, #tpu.memory_space<hbm>> -> memref<16x1024xf32, #tpu.memory_space<hbm>>
    %dma_wait3A_89 = arith.constant 0 : i32
    %dma_wait3A_90 = tpu.memref_slice %arg5[%add3A_21, %dma_wait3A_89] : memref<2048x1024xf32, #tpu.memory_space<hbm>> -> memref<16x1024xf32, #tpu.memory_space<hbm>>
    tpu.wait_dma2 semaphore(%arg13 : memref<!tpu.dma_semaphore, #tpu.memory_space<semaphore_mem>>) src(%arg9 : memref<16x1024xf32, #tpu.memory_space<vmem>>) dst(%dma_wait3A_90 : memref<16x1024xf32, #tpu.memory_space<hbm>>)
    %dma_start3A_91 = arith.constant 2 : i32
    %dma_start3A_92 = arith.constant 0 : i32
    %dma_start3A_93 = tpu.memref_slice %arg6[%dma_start3A_91, %dma_start3A_92] : memref<8x16xi32, #tpu.memory_space<vmem>> -> memref<1x16xi32, #tpu.memory_space<vmem>>
    %dma_start3A_94 = tpu.memref_squeeze %dma_start3A_93 : memref<1x16xi32, #tpu.memory_space<vmem>> -> memref<16xi32, #tpu.memory_space<vmem>>
    %dma_start3A_95 = arith.constant 0 : i32
    %dma_start3A_96 = arith.constant 0 : i32
    %dma_start3A_97 = tpu.memref_slice %arg2[%dma_start3A_95, %dma_start3A_96] : memref<8040x1024xf32, #tpu.memory_space<hbm>> -> memref<8040x1024xf32, #tpu.memory_space<hbm>>
    tpu.enqueue_indirect_dma source(%dma_start3A_97 : memref<8040x1024xf32, #tpu.memory_space<hbm>>) target(%arg7 : memref<16x1024xf32, #tpu.memory_space<vmem>>) offsets(%dma_start3A_94 : memref<16xi32, #tpu.memory_space<vmem>>) semaphore(%arg11 : memref<!tpu.dma_semaphore, #tpu.memory_space<semaphore_mem>>)
    %dma_start3A_98 = arith.constant 6 : i32
    %dma_start3A_99 = arith.constant 0 : i32
    %dma_start3A_100 = tpu.memref_slice %arg6[%dma_start3A_98, %dma_start3A_99] : memref<8x16xi32, #tpu.memory_space<vmem>> -> memref<1x16xi32, #tpu.memory_space<vmem>>
    %dma_start3A_101 = tpu.memref_squeeze %dma_start3A_100 : memref<1x16xi32, #tpu.memory_space<vmem>> -> memref<16xi32, #tpu.memory_space<vmem>>
    %dma_start3A_102 = arith.constant 0 : i32
    %dma_start3A_103 = arith.constant 0 : i32
    %dma_start3A_104 = tpu.memref_slice %arg2[%dma_start3A_102, %dma_start3A_103] : memref<8040x1024xf32, #tpu.memory_space<hbm>> -> memref<8040x1024xf32, #tpu.memory_space<hbm>>
    tpu.enqueue_indirect_dma source(%dma_start3A_104 : memref<8040x1024xf32, #tpu.memory_space<hbm>>) target(%arg9 : memref<16x1024xf32, #tpu.memory_space<vmem>>) offsets(%dma_start3A_101 : memref<16xi32, #tpu.memory_space<vmem>>) semaphore(%arg11 : memref<!tpu.dma_semaphore, #tpu.memory_space<semaphore_mem>>)
    %mul3A_105 = arith.constant 64 : i32
    %mul3A_106 = arith.muli %add3A, %mul3A_105 : i32
    %add3A_107 = arith.constant 32 : i32
    %add3A_108 = arith.addi %mul3A_106, %add3A_107 : i32
    %dma_wait3A_109 = arith.constant 2 : i32
    %dma_wait3A_110 = arith.constant 0 : i32
    %dma_wait3A_111 = tpu.memref_slice %arg6[%dma_wait3A_109, %dma_wait3A_110] : memref<8x16xi32, #tpu.memory_space<vmem>> -> memref<1x16xi32, #tpu.memory_space<vmem>>
    %dma_wait3A_112 = tpu.memref_squeeze %dma_wait3A_111 : memref<1x16xi32, #tpu.memory_space<vmem>> -> memref<16xi32, #tpu.memory_space<vmem>>
    %dma_wait3A_113 = arith.constant 0 : i32
    %dma_wait3A_114 = arith.constant 0 : i32
    %dma_wait3A_115 = tpu.memref_slice %arg2[%dma_wait3A_113, %dma_wait3A_114] : memref<8040x1024xf32, #tpu.memory_space<hbm>> -> memref<8040x1024xf32, #tpu.memory_space<hbm>>
    tpu.wait_indirect_dma semaphore(%arg11 : memref<!tpu.dma_semaphore, #tpu.memory_space<semaphore_mem>>) src(%dma_wait3A_115 : memref<8040x1024xf32, #tpu.memory_space<hbm>>) dst(%arg7 : memref<16x1024xf32, #tpu.memory_space<vmem>>)
    %dma_wait3A_116 = arith.constant 6 : i32
    %dma_wait3A_117 = arith.constant 0 : i32
    %dma_wait3A_118 = tpu.memref_slice %arg6[%dma_wait3A_116, %dma_wait3A_117] : memref<8x16xi32, #tpu.memory_space<vmem>> -> memref<1x16xi32, #tpu.memory_space<vmem>>
    %dma_wait3A_119 = tpu.memref_squeeze %dma_wait3A_118 : memref<1x16xi32, #tpu.memory_space<vmem>> -> memref<16xi32, #tpu.memory_space<vmem>>
    %dma_wait3A_120 = arith.constant 0 : i32
    %dma_wait3A_121 = arith.constant 0 : i32
    %dma_wait3A_122 = tpu.memref_slice %arg2[%dma_wait3A_120, %dma_wait3A_121] : memref<8040x1024xf32, #tpu.memory_space<hbm>> -> memref<8040x1024xf32, #tpu.memory_space<hbm>>
    tpu.wait_indirect_dma semaphore(%arg11 : memref<!tpu.dma_semaphore, #tpu.memory_space<semaphore_mem>>) src(%dma_wait3A_122 : memref<8040x1024xf32, #tpu.memory_space<hbm>>) dst(%arg9 : memref<16x1024xf32, #tpu.memory_space<vmem>>)
    %dma_start3A_123 = arith.constant 0 : i32
    %dma_start3A_124 = tpu.memref_slice %arg4[%add3A_108, %dma_start3A_123] : memref<2048x1024xf32, #tpu.memory_space<hbm>> -> memref<16x1024xf32, #tpu.memory_space<hbm>>
    %dma_start3A_125 = arith.constant 0 : i32
    %dma_start3A_126 = tpu.memref_slice %arg4[%add3A_108, %dma_start3A_125] : memref<2048x1024xf32, #tpu.memory_space<hbm>> -> memref<16x1024xf32, #tpu.memory_space<hbm>>
    tpu.enqueue_dma source(%arg7 : memref<16x1024xf32, #tpu.memory_space<vmem>>) target(%dma_start3A_126 : memref<16x1024xf32, #tpu.memory_space<hbm>>) target_semaphore(%arg13 : memref<!tpu.dma_semaphore, #tpu.memory_space<semaphore_mem>>)
    %dma_start3A_127 = arith.constant 0 : i32
    %dma_start3A_128 = tpu.memref_slice %arg5[%add3A_108, %dma_start3A_127] : memref<2048x1024xf32, #tpu.memory_space<hbm>> -> memref<16x1024xf32, #tpu.memory_space<hbm>>
    %dma_start3A_129 = arith.constant 0 : i32
    %dma_start3A_130 = tpu.memref_slice %arg5[%add3A_108, %dma_start3A_129] : memref<2048x1024xf32, #tpu.memory_space<hbm>> -> memref<16x1024xf32, #tpu.memory_space<hbm>>
    tpu.enqueue_dma source(%arg9 : memref<16x1024xf32, #tpu.memory_space<vmem>>) target(%dma_start3A_130 : memref<16x1024xf32, #tpu.memory_space<hbm>>) target_semaphore(%arg13 : memref<!tpu.dma_semaphore, #tpu.memory_space<semaphore_mem>>)
    %dma_wait3A_131 = arith.constant 0 : i32
    %dma_wait3A_132 = tpu.memref_slice %arg4[%add3A_60, %dma_wait3A_131] : memref<2048x1024xf32, #tpu.memory_space<hbm>> -> memref<16x1024xf32, #tpu.memory_space<hbm>>
    %dma_wait3A_133 = arith.constant 0 : i32
    %dma_wait3A_134 = tpu.memref_slice %arg4[%add3A_60, %dma_wait3A_133] : memref<2048x1024xf32, #tpu.memory_space<hbm>> -> memref<16x1024xf32, #tpu.memory_space<hbm>>
    tpu.wait_dma2 semaphore(%arg14 : memref<!tpu.dma_semaphore, #tpu.memory_space<semaphore_mem>>) src(%arg8 : memref<16x1024xf32, #tpu.memory_space<vmem>>) dst(%dma_wait3A_134 : memref<16x1024xf32, #tpu.memory_space<hbm>>)
    %dma_wait3A_135 = arith.constant 0 : i32
    %dma_wait3A_136 = tpu.memref_slice %arg5[%add3A_60, %dma_wait3A_135] : memref<2048x1024xf32, #tpu.memory_space<hbm>> -> memref<16x1024xf32, #tpu.memory_space<hbm>>
    %dma_wait3A_137 = arith.constant 0 : i32
    %dma_wait3A_138 = tpu.memref_slice %arg5[%add3A_60, %dma_wait3A_137] : memref<2048x1024xf32, #tpu.memory_space<hbm>> -> memref<16x1024xf32, #tpu.memory_space<hbm>>
    tpu.wait_dma2 semaphore(%arg14 : memref<!tpu.dma_semaphore, #tpu.memory_space<semaphore_mem>>) src(%arg10 : memref<16x1024xf32, #tpu.memory_space<vmem>>) dst(%dma_wait3A_138 : memref<16x1024xf32, #tpu.memory_space<hbm>>)
    %dma_start3A_139 = arith.constant 3 : i32
    %dma_start3A_140 = arith.constant 0 : i32
    %dma_start3A_141 = tpu.memref_slice %arg6[%dma_start3A_139, %dma_start3A_140] : memref<8x16xi32, #tpu.memory_space<vmem>> -> memref<1x16xi32, #tpu.memory_space<vmem>>
    %dma_start3A_142 = tpu.memref_squeeze %dma_start3A_141 : memref<1x16xi32, #tpu.memory_space<vmem>> -> memref<16xi32, #tpu.memory_space<vmem>>
    %dma_start3A_143 = arith.constant 0 : i32
    %dma_start3A_144 = arith.constant 0 : i32
    %dma_start3A_145 = tpu.memref_slice %arg2[%dma_start3A_143, %dma_start3A_144] : memref<8040x1024xf32, #tpu.memory_space<hbm>> -> memref<8040x1024xf32, #tpu.memory_space<hbm>>
    tpu.enqueue_indirect_dma source(%dma_start3A_145 : memref<8040x1024xf32, #tpu.memory_space<hbm>>) target(%arg8 : memref<16x1024xf32, #tpu.memory_space<vmem>>) offsets(%dma_start3A_142 : memref<16xi32, #tpu.memory_space<vmem>>) semaphore(%arg12 : memref<!tpu.dma_semaphore, #tpu.memory_space<semaphore_mem>>)
    %dma_start3A_146 = arith.constant 7 : i32
    %dma_start3A_147 = arith.constant 0 : i32
    %dma_start3A_148 = tpu.memref_slice %arg6[%dma_start3A_146, %dma_start3A_147] : memref<8x16xi32, #tpu.memory_space<vmem>> -> memref<1x16xi32, #tpu.memory_space<vmem>>
    %dma_start3A_149 = tpu.memref_squeeze %dma_start3A_148 : memref<1x16xi32, #tpu.memory_space<vmem>> -> memref<16xi32, #tpu.memory_space<vmem>>
    %dma_start3A_150 = arith.constant 0 : i32
    %dma_start3A_151 = arith.constant 0 : i32
    %dma_start3A_152 = tpu.memref_slice %arg2[%dma_start3A_150, %dma_start3A_151] : memref<8040x1024xf32, #tpu.memory_space<hbm>> -> memref<8040x1024xf32, #tpu.memory_space<hbm>>
    tpu.enqueue_indirect_dma source(%dma_start3A_152 : memref<8040x1024xf32, #tpu.memory_space<hbm>>) target(%arg10 : memref<16x1024xf32, #tpu.memory_space<vmem>>) offsets(%dma_start3A_149 : memref<16xi32, #tpu.memory_space<vmem>>) semaphore(%arg12 : memref<!tpu.dma_semaphore, #tpu.memory_space<semaphore_mem>>)
    %mul3A_153 = arith.constant 64 : i32
    %mul3A_154 = arith.muli %add3A, %mul3A_153 : i32
    %add3A_155 = arith.constant 48 : i32
    %add3A_156 = arith.addi %mul3A_154, %add3A_155 : i32
    %dma_wait3A_157 = arith.constant 3 : i32
    %dma_wait3A_158 = arith.constant 0 : i32
    %dma_wait3A_159 = tpu.memref_slice %arg6[%dma_wait3A_157, %dma_wait3A_158] : memref<8x16xi32, #tpu.memory_space<vmem>> -> memref<1x16xi32, #tpu.memory_space<vmem>>
    %dma_wait3A_160 = tpu.memref_squeeze %dma_wait3A_159 : memref<1x16xi32, #tpu.memory_space<vmem>> -> memref<16xi32, #tpu.memory_space<vmem>>
    %dma_wait3A_161 = arith.constant 0 : i32
    %dma_wait3A_162 = arith.constant 0 : i32
    %dma_wait3A_163 = tpu.memref_slice %arg2[%dma_wait3A_161, %dma_wait3A_162] : memref<8040x1024xf32, #tpu.memory_space<hbm>> -> memref<8040x1024xf32, #tpu.memory_space<hbm>>
    tpu.wait_indirect_dma semaphore(%arg12 : memref<!tpu.dma_semaphore, #tpu.memory_space<semaphore_mem>>) src(%dma_wait3A_163 : memref<8040x1024xf32, #tpu.memory_space<hbm>>) dst(%arg8 : memref<16x1024xf32, #tpu.memory_space<vmem>>)
    %dma_wait3A_164 = arith.constant 7 : i32
    %dma_wait3A_165 = arith.constant 0 : i32
    %dma_wait3A_166 = tpu.memref_slice %arg6[%dma_wait3A_164, %dma_wait3A_165] : memref<8x16xi32, #tpu.memory_space<vmem>> -> memref<1x16xi32, #tpu.memory_space<vmem>>
    %dma_wait3A_167 = tpu.memref_squeeze %dma_wait3A_166 : memref<1x16xi32, #tpu.memory_space<vmem>> -> memref<16xi32, #tpu.memory_space<vmem>>
    %dma_wait3A_168 = arith.constant 0 : i32
    %dma_wait3A_169 = arith.constant 0 : i32
    %dma_wait3A_170 = tpu.memref_slice %arg2[%dma_wait3A_168, %dma_wait3A_169] : memref<8040x1024xf32, #tpu.memory_space<hbm>> -> memref<8040x1024xf32, #tpu.memory_space<hbm>>
    tpu.wait_indirect_dma semaphore(%arg12 : memref<!tpu.dma_semaphore, #tpu.memory_space<semaphore_mem>>) src(%dma_wait3A_170 : memref<8040x1024xf32, #tpu.memory_space<hbm>>) dst(%arg10 : memref<16x1024xf32, #tpu.memory_space<vmem>>)
    %dma_start3A_171 = arith.constant 0 : i32
    %dma_start3A_172 = tpu.memref_slice %arg4[%add3A_156, %dma_start3A_171] : memref<2048x1024xf32, #tpu.memory_space<hbm>> -> memref<16x1024xf32, #tpu.memory_space<hbm>>
    %dma_start3A_173 = arith.constant 0 : i32
    %dma_start3A_174 = tpu.memref_slice %arg4[%add3A_156, %dma_start3A_173] : memref<2048x1024xf32, #tpu.memory_space<hbm>> -> memref<16x1024xf32, #tpu.memory_space<hbm>>
    tpu.enqueue_dma source(%arg8 : memref<16x1024xf32, #tpu.memory_space<vmem>>) target(%dma_start3A_174 : memref<16x1024xf32, #tpu.memory_space<hbm>>) target_semaphore(%arg14 : memref<!tpu.dma_semaphore, #tpu.memory_space<semaphore_mem>>)
    %dma_start3A_175 = arith.constant 0 : i32
    %dma_start3A_176 = tpu.memref_slice %arg5[%add3A_156, %dma_start3A_175] : memref<2048x1024xf32, #tpu.memory_space<hbm>> -> memref<16x1024xf32, #tpu.memory_space<hbm>>
    %dma_start3A_177 = arith.constant 0 : i32
    %dma_start3A_178 = tpu.memref_slice %arg5[%add3A_156, %dma_start3A_177] : memref<2048x1024xf32, #tpu.memory_space<hbm>> -> memref<16x1024xf32, #tpu.memory_space<hbm>>
    tpu.enqueue_dma source(%arg10 : memref<16x1024xf32, #tpu.memory_space<vmem>>) target(%dma_start3A_178 : memref<16x1024xf32, #tpu.memory_space<hbm>>) target_semaphore(%arg14 : memref<!tpu.dma_semaphore, #tpu.memory_space<semaphore_mem>>)
    %dma_wait3A_179 = arith.constant 0 : i32
    %dma_wait3A_180 = tpu.memref_slice %arg4[%add3A_108, %dma_wait3A_179] : memref<2048x1024xf32, #tpu.memory_space<hbm>> -> memref<16x1024xf32, #tpu.memory_space<hbm>>
    %dma_wait3A_181 = arith.constant 0 : i32
    %dma_wait3A_182 = tpu.memref_slice %arg4[%add3A_108, %dma_wait3A_181] : memref<2048x1024xf32, #tpu.memory_space<hbm>> -> memref<16x1024xf32, #tpu.memory_space<hbm>>
    tpu.wait_dma2 semaphore(%arg13 : memref<!tpu.dma_semaphore, #tpu.memory_space<semaphore_mem>>) src(%arg7 : memref<16x1024xf32, #tpu.memory_space<vmem>>) dst(%dma_wait3A_182 : memref<16x1024xf32, #tpu.memory_space<hbm>>)
    %dma_wait3A_183 = arith.constant 0 : i32
    %dma_wait3A_184 = tpu.memref_slice %arg5[%add3A_108, %dma_wait3A_183] : memref<2048x1024xf32, #tpu.memory_space<hbm>> -> memref<16x1024xf32, #tpu.memory_space<hbm>>
    %dma_wait3A_185 = arith.constant 0 : i32
    %dma_wait3A_186 = tpu.memref_slice %arg5[%add3A_108, %dma_wait3A_185] : memref<2048x1024xf32, #tpu.memory_space<hbm>> -> memref<16x1024xf32, #tpu.memory_space<hbm>>
    tpu.wait_dma2 semaphore(%arg13 : memref<!tpu.dma_semaphore, #tpu.memory_space<semaphore_mem>>) src(%arg9 : memref<16x1024xf32, #tpu.memory_space<vmem>>) dst(%dma_wait3A_186 : memref<16x1024xf32, #tpu.memory_space<hbm>>)
    %dma_wait3A_187 = arith.constant 0 : i32
    %dma_wait3A_188 = tpu.memref_slice %arg4[%add3A_156, %dma_wait3A_187] : memref<2048x1024xf32, #tpu.memory_space<hbm>> -> memref<16x1024xf32, #tpu.memory_space<hbm>>
    %dma_wait3A_189 = arith.constant 0 : i32
    %dma_wait3A_190 = tpu.memref_slice %arg4[%add3A_156, %dma_wait3A_189] : memref<2048x1024xf32, #tpu.memory_space<hbm>> -> memref<16x1024xf32, #tpu.memory_space<hbm>>
    tpu.wait_dma2 semaphore(%arg14 : memref<!tpu.dma_semaphore, #tpu.memory_space<semaphore_mem>>) src(%arg8 : memref<16x1024xf32, #tpu.memory_space<vmem>>) dst(%dma_wait3A_190 : memref<16x1024xf32, #tpu.memory_space<hbm>>)
    %dma_wait3A_191 = arith.constant 0 : i32
    %dma_wait3A_192 = tpu.memref_slice %arg5[%add3A_156, %dma_wait3A_191] : memref<2048x1024xf32, #tpu.memory_space<hbm>> -> memref<16x1024xf32, #tpu.memory_space<hbm>>
    %dma_wait3A_193 = arith.constant 0 : i32
    %dma_wait3A_194 = tpu.memref_slice %arg5[%add3A_156, %dma_wait3A_193] : memref<2048x1024xf32, #tpu.memory_space<hbm>> -> memref<16x1024xf32, #tpu.memory_space<hbm>>
    tpu.wait_dma2 semaphore(%arg14 : memref<!tpu.dma_semaphore, #tpu.memory_space<semaphore_mem>>) src(%arg10 : memref<16x1024xf32, #tpu.memory_space<vmem>>) dst(%dma_wait3A_194 : memref<16x1024xf32, #tpu.memory_space<hbm>>)
    return
  }
}

module attributes {stable_mosaic.version = 14 : i64} {
  func.func @_router_body(%arg0: i32, %arg1: memref<512x1024xf32, #tpu.memory_space<vmem>>, %arg2: memref<1x1024xf32, #tpu.memory_space<vmem>>, %arg3: memref<1x1024xf32, #tpu.memory_space<vmem>>, %arg4: memref<8x1024xf32, #tpu.memory_space<vmem>>, %arg5: memref<512x1024xf32, #tpu.memory_space<vmem>>, %arg6: memref<512x2xi32, #tpu.memory_space<vmem>>, %arg7: memref<512x2xf32, #tpu.memory_space<vmem>>) attributes {dimension_semantics = [#tpu.dimension_semantics<arbitrary>], iteration_bounds = array<i64: 4>, scalar_prefetch = 0 : i64, scratch_operands = 0 : i64, tpu.core_type = #tpu.core_type<tc>, window_params = [{transform_indices = @transform_0, window_bounds = array<i64: 512, 1024>}, {pipeline_mode = #tpu.pipeline_mode<synchronous>, transform_indices = @transform_1, window_bounds = array<i64: 1, 1024>}, {pipeline_mode = #tpu.pipeline_mode<synchronous>, transform_indices = @transform_2, window_bounds = array<i64: 1, 1024>}, {pipeline_mode = #tpu.pipeline_mode<synchronous>, transform_indices = @transform_3, window_bounds = array<i64: 8, 1024>}, {transform_indices = @transform_4, window_bounds = array<i64: 512, 1024>}, {transform_indices = @transform_5, window_bounds = array<i64: 512, 2>}, {transform_indices = @transform_6, window_bounds = array<i64: 512, 2>}]} {
    %get3A = arith.constant 0 : index
    %get3A_0 = arith.constant 0 : index
    %get3A_1 = vector.load %arg1[%get3A, %get3A_0] : memref<512x1024xf32, #tpu.memory_space<vmem>>, vector<512x1024xf32>
    %reduce_sum3A = arith.constant dense<0.000000e+00> : vector<512xf32>
    %reduce_sum3A_2 = vector.multi_reduction <add>, %get3A_1, %reduce_sum3A [1] : vector<512x1024xf32> to vector<512xf32>
    %broadcast_in_dim3A = vector.shape_cast %reduce_sum3A_2 : vector<512xf32> to vector<512x1xf32>
    %div3A = arith.constant 1.024000e+03 : f32
    %div3A_3 = vector.broadcast %div3A : f32 to vector<512x1xf32>
    %div3A_4 = arith.divf %broadcast_in_dim3A, %div3A_3 : vector<512x1xf32>
    %sub3A = vector.broadcast %div3A_4 : vector<512x1xf32> to vector<512x1024xf32>
    %sub3A_5 = arith.subf %get3A_1, %sub3A : vector<512x1024xf32>
    %integer_pow3A = arith.mulf %sub3A_5, %sub3A_5 : vector<512x1024xf32>
    %reduce_sum3A_6 = arith.constant dense<0.000000e+00> : vector<512xf32>
    %reduce_sum3A_7 = vector.multi_reduction <add>, %integer_pow3A, %reduce_sum3A_6 [1] : vector<512x1024xf32> to vector<512xf32>
    %broadcast_in_dim3A_8 = vector.shape_cast %reduce_sum3A_7 : vector<512xf32> to vector<512x1xf32>
    %div3A_9 = arith.constant 1.024000e+03 : f32
    %div3A_10 = vector.broadcast %div3A_9 : f32 to vector<512x1xf32>
    %div3A_11 = arith.divf %broadcast_in_dim3A_8, %div3A_10 : vector<512x1xf32>
    %sub3A_12 = vector.broadcast %div3A_4 : vector<512x1xf32> to vector<512x1024xf32>
    %sub3A_13 = arith.subf %get3A_1, %sub3A_12 : vector<512x1024xf32>
    %add3A = arith.constant 9.99999974E-6 : f32
    %add3A_14 = vector.broadcast %add3A : f32 to vector<512x1xf32>
    %add3A_15 = arith.addf %div3A_11, %add3A_14 : vector<512x1xf32>
    %rsqrt3A = math.rsqrt %add3A_15 : vector<512x1xf32>
    %mul3A = vector.broadcast %rsqrt3A : vector<512x1xf32> to vector<512x1024xf32>
    %mul3A_16 = arith.mulf %sub3A_13, %mul3A : vector<512x1024xf32>
    %get3A_17 = arith.constant 0 : index
    %get3A_18 = arith.constant 0 : index
    %get3A_19 = vector.load %arg2[%get3A_17, %get3A_18] : memref<1x1024xf32, #tpu.memory_space<vmem>>, vector<1x1024xf32>
    %mul3A_20 = vector.broadcast %get3A_19 : vector<1x1024xf32> to vector<512x1024xf32>
    %mul3A_21 = arith.mulf %mul3A_16, %mul3A_20 : vector<512x1024xf32>
    %get3A_22 = arith.constant 0 : index
    %get3A_23 = arith.constant 0 : index
    %get3A_24 = vector.load %arg3[%get3A_22, %get3A_23] : memref<1x1024xf32, #tpu.memory_space<vmem>>, vector<1x1024xf32>
    %add3A_25 = vector.broadcast %get3A_24 : vector<1x1024xf32> to vector<512x1024xf32>
    %add3A_26 = arith.addf %mul3A_21, %add3A_25 : vector<512x1024xf32>
    %get3A_27 = arith.constant 0 : index
    %get3A_28 = arith.constant 0 : index
    %get3A_29 = vector.load %arg4[%get3A_27, %get3A_28] : memref<8x1024xf32, #tpu.memory_space<vmem>>, vector<8x1024xf32>
    %dot_general3A = arith.constant dense<0.000000e+00> : vector<512x8xf32>
    %dot_general3A_30 = tpu.matmul %add3A_26, %get3A_29, %dot_general3A {dimension_numbers = #tpu.dot_dimension_numbers<[1], [1], [0], [0], [0, 0, 1, 0], [], []>, transpose_lhs_hint = false} : vector<512x1024xf32>, vector<8x1024xf32>, vector<512x8xf32> -> vector<512x8xf32>
    %reduce_sum3A_31 = arith.constant dense<0.000000e+00> : vector<512xf32>
    %reduce_sum3A_32 = vector.multi_reduction <add>, %add3A_26, %reduce_sum3A_31 [1] : vector<512x1024xf32> to vector<512xf32>
    %broadcast_in_dim3A_33 = vector.shape_cast %reduce_sum3A_32 : vector<512xf32> to vector<512x1xf32>
    %div3A_34 = arith.constant 1.024000e+03 : f32
    %div3A_35 = vector.broadcast %div3A_34 : f32 to vector<512x1xf32>
    %div3A_36 = arith.divf %broadcast_in_dim3A_33, %div3A_35 : vector<512x1xf32>
    %sub3A_37 = vector.broadcast %div3A_36 : vector<512x1xf32> to vector<512x1024xf32>
    %sub3A_38 = arith.subf %add3A_26, %sub3A_37 : vector<512x1024xf32>
    %integer_pow3A_39 = arith.mulf %sub3A_38, %sub3A_38 : vector<512x1024xf32>
    %reduce_sum3A_40 = arith.constant dense<0.000000e+00> : vector<512xf32>
    %reduce_sum3A_41 = vector.multi_reduction <add>, %integer_pow3A_39, %reduce_sum3A_40 [1] : vector<512x1024xf32> to vector<512xf32>
    %broadcast_in_dim3A_42 = vector.shape_cast %reduce_sum3A_41 : vector<512xf32> to vector<512x1xf32>
    %div3A_43 = arith.constant 1.024000e+03 : f32
    %div3A_44 = vector.broadcast %div3A_43 : f32 to vector<512x1xf32>
    %div3A_45 = arith.divf %broadcast_in_dim3A_42, %div3A_44 : vector<512x1xf32>
    %sub3A_46 = vector.broadcast %div3A_36 : vector<512x1xf32> to vector<512x1024xf32>
    %sub3A_47 = arith.subf %add3A_26, %sub3A_46 : vector<512x1024xf32>
    %add3A_48 = arith.constant 9.99999974E-6 : f32
    %add3A_49 = vector.broadcast %add3A_48 : f32 to vector<512x1xf32>
    %add3A_50 = arith.addf %div3A_45, %add3A_49 : vector<512x1xf32>
    %rsqrt3A_51 = math.rsqrt %add3A_50 : vector<512x1xf32>
    %mul3A_52 = vector.broadcast %rsqrt3A_51 : vector<512x1xf32> to vector<512x1024xf32>
    %mul3A_53 = arith.mulf %sub3A_47, %mul3A_52 : vector<512x1024xf32>
    %swap3A = arith.constant 0 : index
    %swap3A_54 = arith.constant 0 : index
    %swap3A_55 = vector.load %arg5[%swap3A, %swap3A_54] : memref<512x1024xf32, #tpu.memory_space<vmem>>, vector<512x1024xf32>
    tpu.vector_store %arg5[%swap3A, %swap3A_54], %mul3A_53 {strides = array<i32>} : memref<512x1024xf32, #tpu.memory_space<vmem>>, vector<512x1024xf32>,
    %iota3A = tpu.iota {dimensions = array<i32: 1>} : vector<512x8xi32>
    %reduce_max3A = arith.constant dense<0xFF800000> : vector<512xf32>
    %reduce_max3A_56 = vector.multi_reduction <maximumf>, %dot_general3A_30, %reduce_max3A [1] : vector<512x8xf32> to vector<512xf32>
    %broadcast_in_dim3A_57 = vector.shape_cast %reduce_max3A_56 : vector<512xf32> to vector<512x1xf32>
    %eq3A = vector.broadcast %broadcast_in_dim3A_57 : vector<512x1xf32> to vector<512x8xf32>
    %eq3A_58 = arith.cmpf oeq, %dot_general3A_30, %eq3A : vector<512x8xf32>
    %jit3A = arith.constant 8 : i32
    %broadcast_in_dim3A_59 = vector.broadcast %jit3A : i32 to vector<512x8xi32>
    %select_n3A = arith.select %eq3A_58, %iota3A, %broadcast_in_dim3A_59 : vector<512x8xi1>, vector<512x8xi32>
    %reduce_min3A = arith.constant dense<2147483647> : vector<512xi32>
    %reduce_min3A_60 = vector.multi_reduction <minsi>, %select_n3A, %reduce_min3A [1] : vector<512x8xi32> to vector<512xi32>
    %broadcast_in_dim3A_61 = vector.shape_cast %reduce_min3A_60 : vector<512xi32> to vector<512x1xi32>
    %eq3A_62 = vector.broadcast %broadcast_in_dim3A_61 : vector<512x1xi32> to vector<512x8xi32>
    %eq3A_63 = arith.cmpi eq, %iota3A, %eq3A_62 : vector<512x8xi32>
    %jit3A_64 = arith.constant 0xFF800000 : f32
    %broadcast_in_dim3A_65 = vector.broadcast %jit3A_64 : f32 to vector<512x8xf32>
    %select_n3A_66 = arith.select %eq3A_63, %broadcast_in_dim3A_65, %dot_general3A_30 : vector<512x8xi1>, vector<512x8xf32>
    %reduce_max3A_67 = arith.constant dense<0xFF800000> : vector<512xf32>
    %reduce_max3A_68 = vector.multi_reduction <maximumf>, %select_n3A_66, %reduce_max3A_67 [1] : vector<512x8xf32> to vector<512xf32>
    %broadcast_in_dim3A_69 = vector.shape_cast %reduce_max3A_68 : vector<512xf32> to vector<512x1xf32>
    %eq3A_70 = vector.broadcast %broadcast_in_dim3A_69 : vector<512x1xf32> to vector<512x8xf32>
    %eq3A_71 = arith.cmpf oeq, %select_n3A_66, %eq3A_70 : vector<512x8xf32>
    %jit3A_72 = arith.constant 8 : i32
    %broadcast_in_dim3A_73 = vector.broadcast %jit3A_72 : i32 to vector<512x8xi32>
    %select_n3A_74 = arith.select %eq3A_71, %iota3A, %broadcast_in_dim3A_73 : vector<512x8xi1>, vector<512x8xi32>
    %reduce_min3A_75 = arith.constant dense<2147483647> : vector<512xi32>
    %reduce_min3A_76 = vector.multi_reduction <minsi>, %select_n3A_74, %reduce_min3A_75 [1] : vector<512x8xi32> to vector<512xi32>
    %broadcast_in_dim3A_77 = vector.shape_cast %reduce_min3A_76 : vector<512xi32> to vector<512x1xi32>
    %sub3A_78 = arith.subf %broadcast_in_dim3A_69, %broadcast_in_dim3A_57 : vector<512x1xf32>
    %exp3A = math.exp %sub3A_78 : vector<512x1xf32>
    %add3A_79 = arith.constant 1.000000e+00 : f32
    %add3A_80 = vector.broadcast %add3A_79 : f32 to vector<512x1xf32>
    %add3A_81 = arith.addf %add3A_80, %exp3A : vector<512x1xf32>
    %div3A_82 = arith.constant 1.000000e+00 : f32
    %div3A_83 = vector.broadcast %div3A_82 : f32 to vector<512x1xf32>
    %div3A_84 = arith.divf %div3A_83, %add3A_81 : vector<512x1xf32>
    %concatenate3A = tpu.concatenate %broadcast_in_dim3A_61, %broadcast_in_dim3A_77 in 1 : vector<512x1xi32>, vector<512x1xi32> -> vector<512x2xi32>
    %swap3A_85 = arith.constant 0 : index
    %swap3A_86 = arith.constant 0 : index
    %swap3A_87 = vector.load %arg6[%swap3A_85, %swap3A_86] : memref<512x2xi32, #tpu.memory_space<vmem>>, vector<512x2xi32>
    tpu.vector_store %arg6[%swap3A_85, %swap3A_86], %concatenate3A {strides = array<i32>} : memref<512x2xi32, #tpu.memory_space<vmem>>, vector<512x2xi32>,
    %sub3A_88 = arith.constant 1.000000e+00 : f32
    %sub3A_89 = vector.broadcast %sub3A_88 : f32 to vector<512x1xf32>
    %sub3A_90 = arith.subf %sub3A_89, %div3A_84 : vector<512x1xf32>
    %concatenate3A_91 = tpu.concatenate %div3A_84, %sub3A_90 in 1 : vector<512x1xf32>, vector<512x1xf32> -> vector<512x2xf32>
    %swap3A_92 = arith.constant 0 : index
    %swap3A_93 = arith.constant 0 : index
    %swap3A_94 = vector.load %arg7[%swap3A_92, %swap3A_93] : memref<512x2xf32, #tpu.memory_space<vmem>>, vector<512x2xf32>
    tpu.vector_store %arg7[%swap3A_92, %swap3A_93], %concatenate3A_91 {strides = array<i32>} : memref<512x2xf32, #tpu.memory_space<vmem>>, vector<512x2xf32>,
    return
  }
  func.func @transform_0(%arg0: i32) -> (i32, i32) {
    %c0_i32 = arith.constant 0 : i32
    %c0_i32_0 = arith.constant 0 : i32
    return %arg0, %c0_i32 : i32, i32
  }
  func.func @transform_1(%arg0: i32) -> (i32, i32) {
    %c0_i32 = arith.constant 0 : i32
    %c0_i32_0 = arith.constant 0 : i32
    %c0_i32_1 = arith.constant 0 : i32
    return %c0_i32, %c0_i32_0 : i32, i32
  }
  func.func @transform_2(%arg0: i32) -> (i32, i32) {
    %c0_i32 = arith.constant 0 : i32
    %c0_i32_0 = arith.constant 0 : i32
    %c0_i32_1 = arith.constant 0 : i32
    return %c0_i32, %c0_i32_0 : i32, i32
  }
  func.func @transform_3(%arg0: i32) -> (i32, i32) {
    %c0_i32 = arith.constant 0 : i32
    %c0_i32_0 = arith.constant 0 : i32
    %c0_i32_1 = arith.constant 0 : i32
    return %c0_i32, %c0_i32_0 : i32, i32
  }
  func.func @transform_4(%arg0: i32) -> (i32, i32) {
    %c0_i32 = arith.constant 0 : i32
    %c0_i32_0 = arith.constant 0 : i32
    return %arg0, %c0_i32 : i32, i32
  }
  func.func @transform_5(%arg0: i32) -> (i32, i32) {
    %c0_i32 = arith.constant 0 : i32
    %c0_i32_0 = arith.constant 0 : i32
    return %arg0, %c0_i32 : i32, i32
  }
  func.func @transform_6(%arg0: i32) -> (i32, i32) {
    %c0_i32 = arith.constant 0 : i32
    %c0_i32_0 = arith.constant 0 : i32
    return %arg0, %c0_i32 : i32, i32
  }
}

module attributes {stable_mosaic.version = 14 : i64} {
  func.func @_plan_body(%arg0: memref<32x128xi32, #tpu.memory_space<vmem>>, %arg1: memref<32x128xi32, #tpu.memory_space<vmem>>, %arg2: memref<1x64xi32, #tpu.memory_space<vmem>>, %arg3: memref<1x1xi32, #tpu.memory_space<vmem>>) attributes {dimension_semantics = [], scalar_prefetch = 0 : i64, scratch_operands = 0 : i64, tpu.core_type = #tpu.core_type<tc>} {
    %get3A = arith.constant 0 : index
    %get3A_0 = arith.constant 0 : index
    %get3A_1 = vector.load %arg0[%get3A, %get3A_0] : memref<32x128xi32, #tpu.memory_space<vmem>>, vector<32x128xi32>
    %iota3A = tpu.iota {dimensions = array<i32: 0>} : vector<128x128xi32>
    %iota3A_2 = tpu.iota {dimensions = array<i32: 1>} : vector<128x128xi32>
    %lt3A = arith.cmpi slt, %iota3A, %iota3A_2 : vector<128x128xi32>
    %convert_element_type3A = arith.extui %lt3A : vector<128x128xi1> to vector<128x128xi32>
    %convert_element_type3A_3 = arith.sitofp %convert_element_type3A : vector<128x128xi32> to vector<128x128xf32>
    %iota3A_4 = tpu.iota {dimensions = array<i32: 0>} : vector<32x32xi32>
    %iota3A_5 = tpu.iota {dimensions = array<i32: 1>} : vector<32x32xi32>
    %lt3A_6 = arith.cmpi slt, %iota3A_5, %iota3A_4 : vector<32x32xi32>
    %convert_element_type3A_7 = arith.extui %lt3A_6 : vector<32x32xi1> to vector<32x32xi32>
    %convert_element_type3A_8 = arith.sitofp %convert_element_type3A_7 : vector<32x32xi32> to vector<32x32xf32>
    %eq3A = arith.constant 0 : i32
    %eq3A_9 = vector.broadcast %eq3A : i32 to vector<32x128xi32>
    %eq3A_10 = arith.cmpi eq, %get3A_1, %eq3A_9 : vector<32x128xi32>
    %convert_element_type3A_11 = arith.extui %eq3A_10 : vector<32x128xi1> to vector<32x128xi32>
    %convert_element_type3A_12 = arith.sitofp %convert_element_type3A_11 : vector<32x128xi32> to vector<32x128xf32>
    %eq3A_13 = arith.constant 1 : i32
    %eq3A_14 = vector.broadcast %eq3A_13 : i32 to vector<32x128xi32>
    %eq3A_15 = arith.cmpi eq, %get3A_1, %eq3A_14 : vector<32x128xi32>
    %convert_element_type3A_16 = arith.extui %eq3A_15 : vector<32x128xi1> to vector<32x128xi32>
    %convert_element_type3A_17 = arith.sitofp %convert_element_type3A_16 : vector<32x128xi32> to vector<32x128xf32>
    %eq3A_18 = arith.constant 2 : i32
    %eq3A_19 = vector.broadcast %eq3A_18 : i32 to vector<32x128xi32>
    %eq3A_20 = arith.cmpi eq, %get3A_1, %eq3A_19 : vector<32x128xi32>
    %convert_element_type3A_21 = arith.extui %eq3A_20 : vector<32x128xi1> to vector<32x128xi32>
    %convert_element_type3A_22 = arith.sitofp %convert_element_type3A_21 : vector<32x128xi32> to vector<32x128xf32>
    %eq3A_23 = arith.constant 3 : i32
    %eq3A_24 = vector.broadcast %eq3A_23 : i32 to vector<32x128xi32>
    %eq3A_25 = arith.cmpi eq, %get3A_1, %eq3A_24 : vector<32x128xi32>
    %convert_element_type3A_26 = arith.extui %eq3A_25 : vector<32x128xi1> to vector<32x128xi32>
    %convert_element_type3A_27 = arith.sitofp %convert_element_type3A_26 : vector<32x128xi32> to vector<32x128xf32>
    %eq3A_28 = arith.constant 4 : i32
    %eq3A_29 = vector.broadcast %eq3A_28 : i32 to vector<32x128xi32>
    %eq3A_30 = arith.cmpi eq, %get3A_1, %eq3A_29 : vector<32x128xi32>
    %convert_element_type3A_31 = arith.extui %eq3A_30 : vector<32x128xi1> to vector<32x128xi32>
    %convert_element_type3A_32 = arith.sitofp %convert_element_type3A_31 : vector<32x128xi32> to vector<32x128xf32>
    %eq3A_33 = arith.constant 5 : i32
    %eq3A_34 = vector.broadcast %eq3A_33 : i32 to vector<32x128xi32>
    %eq3A_35 = arith.cmpi eq, %get3A_1, %eq3A_34 : vector<32x128xi32>
    %convert_element_type3A_36 = arith.extui %eq3A_35 : vector<32x128xi1> to vector<32x128xi32>
    %convert_element_type3A_37 = arith.sitofp %convert_element_type3A_36 : vector<32x128xi32> to vector<32x128xf32>
    %eq3A_38 = arith.constant 6 : i32
    %eq3A_39 = vector.broadcast %eq3A_38 : i32 to vector<32x128xi32>
    %eq3A_40 = arith.cmpi eq, %get3A_1, %eq3A_39 : vector<32x128xi32>
    %convert_element_type3A_41 = arith.extui %eq3A_40 : vector<32x128xi1> to vector<32x128xi32>
    %convert_element_type3A_42 = arith.sitofp %convert_element_type3A_41 : vector<32x128xi32> to vector<32x128xf32>
    %eq3A_43 = arith.constant 7 : i32
    %eq3A_44 = vector.broadcast %eq3A_43 : i32 to vector<32x128xi32>
    %eq3A_45 = arith.cmpi eq, %get3A_1, %eq3A_44 : vector<32x128xi32>
    %convert_element_type3A_46 = arith.extui %eq3A_45 : vector<32x128xi1> to vector<32x128xi32>
    %convert_element_type3A_47 = arith.sitofp %convert_element_type3A_46 : vector<32x128xi32> to vector<32x128xf32>
    %reduce_sum3A = arith.constant dense<0.000000e+00> : vector<32xf32>
    %reduce_sum3A_48 = vector.multi_reduction <add>, %convert_element_type3A_12, %reduce_sum3A [1] : vector<32x128xf32> to vector<32xf32>
    %broadcast_in_dim3A = vector.shape_cast %reduce_sum3A_48 : vector<32xf32> to vector<32x1xf32>
    %reduce_sum3A_49 = arith.constant dense<0.000000e+00> : vector<32xf32>
    %reduce_sum3A_50 = vector.multi_reduction <add>, %convert_element_type3A_17, %reduce_sum3A_49 [1] : vector<32x128xf32> to vector<32xf32>
    %broadcast_in_dim3A_51 = vector.shape_cast %reduce_sum3A_50 : vector<32xf32> to vector<32x1xf32>
    %reduce_sum3A_52 = arith.constant dense<0.000000e+00> : vector<32xf32>
    %reduce_sum3A_53 = vector.multi_reduction <add>, %convert_element_type3A_22, %reduce_sum3A_52 [1] : vector<32x128xf32> to vector<32xf32>
    %broadcast_in_dim3A_54 = vector.shape_cast %reduce_sum3A_53 : vector<32xf32> to vector<32x1xf32>
    %reduce_sum3A_55 = arith.constant dense<0.000000e+00> : vector<32xf32>
    %reduce_sum3A_56 = vector.multi_reduction <add>, %convert_element_type3A_27, %reduce_sum3A_55 [1] : vector<32x128xf32> to vector<32xf32>
    %broadcast_in_dim3A_57 = vector.shape_cast %reduce_sum3A_56 : vector<32xf32> to vector<32x1xf32>
    %reduce_sum3A_58 = arith.constant dense<0.000000e+00> : vector<32xf32>
    %reduce_sum3A_59 = vector.multi_reduction <add>, %convert_element_type3A_32, %reduce_sum3A_58 [1] : vector<32x128xf32> to vector<32xf32>
    %broadcast_in_dim3A_60 = vector.shape_cast %reduce_sum3A_59 : vector<32xf32> to vector<32x1xf32>
    %reduce_sum3A_61 = arith.constant dense<0.000000e+00> : vector<32xf32>
    %reduce_sum3A_62 = vector.multi_reduction <add>, %convert_element_type3A_37, %reduce_sum3A_61 [1] : vector<32x128xf32> to vector<32xf32>
    %broadcast_in_dim3A_63 = vector.shape_cast %reduce_sum3A_62 : vector<32xf32> to vector<32x1xf32>
    %reduce_sum3A_64 = arith.constant dense<0.000000e+00> : vector<32xf32>
    %reduce_sum3A_65 = vector.multi_reduction <add>, %convert_element_type3A_42, %reduce_sum3A_64 [1] : vector<32x128xf32> to vector<32xf32>
    %broadcast_in_dim3A_66 = vector.shape_cast %reduce_sum3A_65 : vector<32xf32> to vector<32x1xf32>
    %reduce_sum3A_67 = arith.constant dense<0.000000e+00> : vector<32xf32>
    %reduce_sum3A_68 = vector.multi_reduction <add>, %convert_element_type3A_47, %reduce_sum3A_67 [1] : vector<32x128xf32> to vector<32xf32>
    %broadcast_in_dim3A_69 = vector.shape_cast %reduce_sum3A_68 : vector<32xf32> to vector<32x1xf32>
    %concatenate3A = tpu.concatenate %broadcast_in_dim3A, %broadcast_in_dim3A_51, %broadcast_in_dim3A_54, %broadcast_in_dim3A_57, %broadcast_in_dim3A_60, %broadcast_in_dim3A_63, %broadcast_in_dim3A_66, %broadcast_in_dim3A_69 in 1 : vector<32x1xf32>, vector<32x1xf32>, vector<32x1xf32>, vector<32x1xf32>, vector<32x1xf32>, vector<32x1xf32>, vector<32x1xf32>, vector<32x1xf32> -> vector<32x8xf32>
    %dot_general3A = arith.constant dense<0.000000e+00> : vector<32x8xf32>
    %dot_general3A_70 = tpu.matmul %convert_element_type3A_8, %concatenate3A, %dot_general3A {dimension_numbers = #tpu.dot_dimension_numbers<[1], [0], [0], [1], [0, 0, 1, 1], [], []>, transpose_lhs_hint = false} : vector<32x32xf32>, vector<32x8xf32>, vector<32x8xf32> -> vector<32x8xf32>
    %reduce_sum3A_71 = arith.constant dense<0.000000e+00> : vector<8xf32>
    %reduce_sum3A_72 = vector.multi_reduction <add>, %concatenate3A, %reduce_sum3A_71 [0] : vector<32x8xf32> to vector<8xf32>
    %broadcast_in_dim3A_73 = vector.shape_cast %reduce_sum3A_72 : vector<8xf32> to vector<1x8xf32>
    %mul3A = arith.constant 0.0018656716 : f32
    %mul3A_74 = vector.broadcast %mul3A : f32 to vector<1x8xf32>
    %mul3A_75 = arith.mulf %broadcast_in_dim3A_73, %mul3A_74 : vector<1x8xf32>
    %ceil3A = math.ceil %mul3A_75 : vector<1x8xf32>
    %iota3A_76 = tpu.iota {dimensions = array<i32: 0>} : vector<8x8xi32>
    %iota3A_77 = tpu.iota {dimensions = array<i32: 1>} : vector<8x8xi32>
    %lt3A_78 = arith.cmpi slt, %iota3A_76, %iota3A_77 : vector<8x8xi32>
    %convert_element_type3A_79 = arith.extui %lt3A_78 : vector<8x8xi1> to vector<8x8xi32>
    %convert_element_type3A_80 = arith.sitofp %convert_element_type3A_79 : vector<8x8xi32> to vector<8x8xf32>
    %dot_general3A_81 = arith.constant dense<0.000000e+00> : vector<1x8xf32>
    %dot_general3A_82 = tpu.matmul %ceil3A, %convert_element_type3A_80, %dot_general3A_81 {dimension_numbers = #tpu.dot_dimension_numbers<[1], [0], [0], [1], [0, 0, 1, 1], [], []>, transpose_lhs_hint = false} : vector<1x8xf32>, vector<8x8xf32>, vector<1x8xf32> -> vector<1x8xf32>
    %reduce_sum3A_83 = arith.constant dense<0.000000e+00> : vector<1xf32>
    %reduce_sum3A_84 = vector.multi_reduction <add>, %ceil3A, %reduce_sum3A_83 [1] : vector<1x8xf32> to vector<1xf32>
    %broadcast_in_dim3A_85 = vector.shape_cast %reduce_sum3A_84 : vector<1xf32> to vector<1x1xf32>
    %broadcast_in_dim3A_86 = arith.constant 0.000000e+00 : f32
    %broadcast_in_dim3A_87 = vector.broadcast %broadcast_in_dim3A_86 : f32 to vector<32x128xf32>
    %dot_general3A_88 = arith.constant dense<0.000000e+00> : vector<32x128xf32>
    %dot_general3A_89 = tpu.matmul %convert_element_type3A_12, %convert_element_type3A_3, %dot_general3A_88 {dimension_numbers = #tpu.dot_dimension_numbers<[1], [0], [0], [1], [0, 0, 1, 1], [], []>, transpose_lhs_hint = false} : vector<32x128xf32>, vector<128x128xf32>, vector<32x128xf32> -> vector<32x128xf32>
    %slice3A = vector.extract_strided_slice %dot_general3A_82 {offsets = [0, 0], sizes = [1, 1], strides = [1, 1]} : vector<1x8xf32> to vector<1x1xf32>
    %mul3A_90 = arith.constant 5.360000e+02 : f32
    %mul3A_91 = vector.broadcast %mul3A_90 : f32 to vector<1x1xf32>
    %mul3A_92 = arith.mulf %slice3A, %mul3A_91 : vector<1x1xf32>
    %slice3A_93 = vector.extract_strided_slice %dot_general3A_70 {offsets = [0, 0], sizes = [32, 1], strides = [1, 1]} : vector<32x8xf32> to vector<32x1xf32>
    %add3A = vector.broadcast %slice3A_93 : vector<32x1xf32> to vector<32x128xf32>
    %add3A_94 = arith.addf %dot_general3A_89, %add3A : vector<32x128xf32>
    %add3A_95 = vector.broadcast %mul3A_92 : vector<1x1xf32> to vector<32x128xf32>
    %add3A_96 = arith.addf %add3A_94, %add3A_95 : vector<32x128xf32>
    %mul3A_97 = arith.mulf %convert_element_type3A_12, %add3A_96 : vector<32x128xf32>
    %add3A_98 = arith.addf %broadcast_in_dim3A_87, %mul3A_97 : vector<32x128xf32>
    %dot_general3A_99 = arith.constant dense<0.000000e+00> : vector<32x128xf32>
    %dot_general3A_100 = tpu.matmul %convert_element_type3A_17, %convert_element_type3A_3, %dot_general3A_99 {dimension_numbers = #tpu.dot_dimension_numbers<[1], [0], [0], [1], [0, 0, 1, 1], [], []>, transpose_lhs_hint = false} : vector<32x128xf32>, vector<128x128xf32>, vector<32x128xf32> -> vector<32x128xf32>
    %slice3A_101 = vector.extract_strided_slice %dot_general3A_82 {offsets = [0, 1], sizes = [1, 1], strides = [1, 1]} : vector<1x8xf32> to vector<1x1xf32>
    %mul3A_102 = arith.constant 5.360000e+02 : f32
    %mul3A_103 = vector.broadcast %mul3A_102 : f32 to vector<1x1xf32>
    %mul3A_104 = arith.mulf %slice3A_101, %mul3A_103 : vector<1x1xf32>
    %slice3A_105 = vector.extract_strided_slice %dot_general3A_70 {offsets = [0, 1], sizes = [32, 1], strides = [1, 1]} : vector<32x8xf32> to vector<32x1xf32>
    %add3A_106 = vector.broadcast %slice3A_105 : vector<32x1xf32> to vector<32x128xf32>
    %add3A_107 = arith.addf %dot_general3A_100, %add3A_106 : vector<32x128xf32>
    %add3A_108 = vector.broadcast %mul3A_104 : vector<1x1xf32> to vector<32x128xf32>
    %add3A_109 = arith.addf %add3A_107, %add3A_108 : vector<32x128xf32>
    %mul3A_110 = arith.mulf %convert_element_type3A_17, %add3A_109 : vector<32x128xf32>
    %add3A_111 = arith.addf %add3A_98, %mul3A_110 : vector<32x128xf32>
    %dot_general3A_112 = arith.constant dense<0.000000e+00> : vector<32x128xf32>
    %dot_general3A_113 = tpu.matmul %convert_element_type3A_22, %convert_element_type3A_3, %dot_general3A_112 {dimension_numbers = #tpu.dot_dimension_numbers<[1], [0], [0], [1], [0, 0, 1, 1], [], []>, transpose_lhs_hint = false} : vector<32x128xf32>, vector<128x128xf32>, vector<32x128xf32> -> vector<32x128xf32>
    %slice3A_114 = vector.extract_strided_slice %dot_general3A_82 {offsets = [0, 2], sizes = [1, 1], strides = [1, 1]} : vector<1x8xf32> to vector<1x1xf32>
    %mul3A_115 = arith.constant 5.360000e+02 : f32
    %mul3A_116 = vector.broadcast %mul3A_115 : f32 to vector<1x1xf32>
    %mul3A_117 = arith.mulf %slice3A_114, %mul3A_116 : vector<1x1xf32>
    %slice3A_118 = vector.extract_strided_slice %dot_general3A_70 {offsets = [0, 2], sizes = [32, 1], strides = [1, 1]} : vector<32x8xf32> to vector<32x1xf32>
    %add3A_119 = vector.broadcast %slice3A_118 : vector<32x1xf32> to vector<32x128xf32>
    %add3A_120 = arith.addf %dot_general3A_113, %add3A_119 : vector<32x128xf32>
    %add3A_121 = vector.broadcast %mul3A_117 : vector<1x1xf32> to vector<32x128xf32>
    %add3A_122 = arith.addf %add3A_120, %add3A_121 : vector<32x128xf32>
    %mul3A_123 = arith.mulf %convert_element_type3A_22, %add3A_122 : vector<32x128xf32>
    %add3A_124 = arith.addf %add3A_111, %mul3A_123 : vector<32x128xf32>
    %dot_general3A_125 = arith.constant dense<0.000000e+00> : vector<32x128xf32>
    %dot_general3A_126 = tpu.matmul %convert_element_type3A_27, %convert_element_type3A_3, %dot_general3A_125 {dimension_numbers = #tpu.dot_dimension_numbers<[1], [0], [0], [1], [0, 0, 1, 1], [], []>, transpose_lhs_hint = false} : vector<32x128xf32>, vector<128x128xf32>, vector<32x128xf32> -> vector<32x128xf32>
    %slice3A_127 = vector.extract_strided_slice %dot_general3A_82 {offsets = [0, 3], sizes = [1, 1], strides = [1, 1]} : vector<1x8xf32> to vector<1x1xf32>
    %mul3A_128 = arith.constant 5.360000e+02 : f32
    %mul3A_129 = vector.broadcast %mul3A_128 : f32 to vector<1x1xf32>
    %mul3A_130 = arith.mulf %slice3A_127, %mul3A_129 : vector<1x1xf32>
    %slice3A_131 = vector.extract_strided_slice %dot_general3A_70 {offsets = [0, 3], sizes = [32, 1], strides = [1, 1]} : vector<32x8xf32> to vector<32x1xf32>
    %add3A_132 = vector.broadcast %slice3A_131 : vector<32x1xf32> to vector<32x128xf32>
    %add3A_133 = arith.addf %dot_general3A_126, %add3A_132 : vector<32x128xf32>
    %add3A_134 = vector.broadcast %mul3A_130 : vector<1x1xf32> to vector<32x128xf32>
    %add3A_135 = arith.addf %add3A_133, %add3A_134 : vector<32x128xf32>
    %mul3A_136 = arith.mulf %convert_element_type3A_27, %add3A_135 : vector<32x128xf32>
    %add3A_137 = arith.addf %add3A_124, %mul3A_136 : vector<32x128xf32>
    %dot_general3A_138 = arith.constant dense<0.000000e+00> : vector<32x128xf32>
    %dot_general3A_139 = tpu.matmul %convert_element_type3A_32, %convert_element_type3A_3, %dot_general3A_138 {dimension_numbers = #tpu.dot_dimension_numbers<[1], [0], [0], [1], [0, 0, 1, 1], [], []>, transpose_lhs_hint = false} : vector<32x128xf32>, vector<128x128xf32>, vector<32x128xf32> -> vector<32x128xf32>
    %slice3A_140 = vector.extract_strided_slice %dot_general3A_82 {offsets = [0, 4], sizes = [1, 1], strides = [1, 1]} : vector<1x8xf32> to vector<1x1xf32>
    %mul3A_141 = arith.constant 5.360000e+02 : f32
    %mul3A_142 = vector.broadcast %mul3A_141 : f32 to vector<1x1xf32>
    %mul3A_143 = arith.mulf %slice3A_140, %mul3A_142 : vector<1x1xf32>
    %slice3A_144 = vector.extract_strided_slice %dot_general3A_70 {offsets = [0, 4], sizes = [32, 1], strides = [1, 1]} : vector<32x8xf32> to vector<32x1xf32>
    %add3A_145 = vector.broadcast %slice3A_144 : vector<32x1xf32> to vector<32x128xf32>
    %add3A_146 = arith.addf %dot_general3A_139, %add3A_145 : vector<32x128xf32>
    %add3A_147 = vector.broadcast %mul3A_143 : vector<1x1xf32> to vector<32x128xf32>
    %add3A_148 = arith.addf %add3A_146, %add3A_147 : vector<32x128xf32>
    %mul3A_149 = arith.mulf %convert_element_type3A_32, %add3A_148 : vector<32x128xf32>
    %add3A_150 = arith.addf %add3A_137, %mul3A_149 : vector<32x128xf32>
    %dot_general3A_151 = arith.constant dense<0.000000e+00> : vector<32x128xf32>
    %dot_general3A_152 = tpu.matmul %convert_element_type3A_37, %convert_element_type3A_3, %dot_general3A_151 {dimension_numbers = #tpu.dot_dimension_numbers<[1], [0], [0], [1], [0, 0, 1, 1], [], []>, transpose_lhs_hint = false} : vector<32x128xf32>, vector<128x128xf32>, vector<32x128xf32> -> vector<32x128xf32>
    %slice3A_153 = vector.extract_strided_slice %dot_general3A_82 {offsets = [0, 5], sizes = [1, 1], strides = [1, 1]} : vector<1x8xf32> to vector<1x1xf32>
    %mul3A_154 = arith.constant 5.360000e+02 : f32
    %mul3A_155 = vector.broadcast %mul3A_154 : f32 to vector<1x1xf32>
    %mul3A_156 = arith.mulf %slice3A_153, %mul3A_155 : vector<1x1xf32>
    %slice3A_157 = vector.extract_strided_slice %dot_general3A_70 {offsets = [0, 5], sizes = [32, 1], strides = [1, 1]} : vector<32x8xf32> to vector<32x1xf32>
    %add3A_158 = vector.broadcast %slice3A_157 : vector<32x1xf32> to vector<32x128xf32>
    %add3A_159 = arith.addf %dot_general3A_152, %add3A_158 : vector<32x128xf32>
    %add3A_160 = vector.broadcast %mul3A_156 : vector<1x1xf32> to vector<32x128xf32>
    %add3A_161 = arith.addf %add3A_159, %add3A_160 : vector<32x128xf32>
    %mul3A_162 = arith.mulf %convert_element_type3A_37, %add3A_161 : vector<32x128xf32>
    %add3A_163 = arith.addf %add3A_150, %mul3A_162 : vector<32x128xf32>
    %dot_general3A_164 = arith.constant dense<0.000000e+00> : vector<32x128xf32>
    %dot_general3A_165 = tpu.matmul %convert_element_type3A_42, %convert_element_type3A_3, %dot_general3A_164 {dimension_numbers = #tpu.dot_dimension_numbers<[1], [0], [0], [1], [0, 0, 1, 1], [], []>, transpose_lhs_hint = false} : vector<32x128xf32>, vector<128x128xf32>, vector<32x128xf32> -> vector<32x128xf32>
    %slice3A_166 = vector.extract_strided_slice %dot_general3A_82 {offsets = [0, 6], sizes = [1, 1], strides = [1, 1]} : vector<1x8xf32> to vector<1x1xf32>
    %mul3A_167 = arith.constant 5.360000e+02 : f32
    %mul3A_168 = vector.broadcast %mul3A_167 : f32 to vector<1x1xf32>
    %mul3A_169 = arith.mulf %slice3A_166, %mul3A_168 : vector<1x1xf32>
    %slice3A_170 = vector.extract_strided_slice %dot_general3A_70 {offsets = [0, 6], sizes = [32, 1], strides = [1, 1]} : vector<32x8xf32> to vector<32x1xf32>
    %add3A_171 = vector.broadcast %slice3A_170 : vector<32x1xf32> to vector<32x128xf32>
    %add3A_172 = arith.addf %dot_general3A_165, %add3A_171 : vector<32x128xf32>
    %add3A_173 = vector.broadcast %mul3A_169 : vector<1x1xf32> to vector<32x128xf32>
    %add3A_174 = arith.addf %add3A_172, %add3A_173 : vector<32x128xf32>
    %mul3A_175 = arith.mulf %convert_element_type3A_42, %add3A_174 : vector<32x128xf32>
    %add3A_176 = arith.addf %add3A_163, %mul3A_175 : vector<32x128xf32>
    %dot_general3A_177 = arith.constant dense<0.000000e+00> : vector<32x128xf32>
    %dot_general3A_178 = tpu.matmul %convert_element_type3A_47, %convert_element_type3A_3, %dot_general3A_177 {dimension_numbers = #tpu.dot_dimension_numbers<[1], [0], [0], [1], [0, 0, 1, 1], [], []>, transpose_lhs_hint = false} : vector<32x128xf32>, vector<128x128xf32>, vector<32x128xf32> -> vector<32x128xf32>
    %slice3A_179 = vector.extract_strided_slice %dot_general3A_82 {offsets = [0, 7], sizes = [1, 1], strides = [1, 1]} : vector<1x8xf32> to vector<1x1xf32>
    %mul3A_180 = arith.constant 5.360000e+02 : f32
    %mul3A_181 = vector.broadcast %mul3A_180 : f32 to vector<1x1xf32>
    %mul3A_182 = arith.mulf %slice3A_179, %mul3A_181 : vector<1x1xf32>
    %slice3A_183 = vector.extract_strided_slice %dot_general3A_70 {offsets = [0, 7], sizes = [32, 1], strides = [1, 1]} : vector<32x8xf32> to vector<32x1xf32>
    %add3A_184 = vector.broadcast %slice3A_183 : vector<32x1xf32> to vector<32x128xf32>
    %add3A_185 = arith.addf %dot_general3A_178, %add3A_184 : vector<32x128xf32>
    %add3A_186 = vector.broadcast %mul3A_182 : vector<1x1xf32> to vector<32x128xf32>
    %add3A_187 = arith.addf %add3A_185, %add3A_186 : vector<32x128xf32>
    %mul3A_188 = arith.mulf %convert_element_type3A_47, %add3A_187 : vector<32x128xf32>
    %add3A_189 = arith.addf %add3A_176, %mul3A_188 : vector<32x128xf32>
    %convert_element_type3A_190 = arith.fptosi %add3A_189 : vector<32x128xf32> to vector<32x128xi32>
    %swap3A = arith.constant 0 : index
    %swap3A_191 = arith.constant 0 : index
    %swap3A_192 = vector.load %arg1[%swap3A, %swap3A_191] : memref<32x128xi32, #tpu.memory_space<vmem>>, vector<32x128xi32>
    tpu.vector_store %arg1[%swap3A, %swap3A_191], %convert_element_type3A_190 {strides = array<i32>} : memref<32x128xi32, #tpu.memory_space<vmem>>, vector<32x128xi32>,
    %iota3A_193 = tpu.iota {dimensions = array<i32: 1>} : vector<1x64xi32>
    %convert_element_type3A_194 = arith.sitofp %iota3A_193 : vector<1x64xi32> to vector<1x64xf32>
    %sub3A = arith.constant 1.000000e+00 : f32
    %sub3A_195 = vector.broadcast %sub3A : f32 to vector<1x1xf32>
    %sub3A_196 = arith.subf %broadcast_in_dim3A_85, %sub3A_195 : vector<1x1xf32>
    %min3A = vector.broadcast %sub3A_196 : vector<1x1xf32> to vector<1x64xf32>
    %min3A_197 = arith.minimumf %convert_element_type3A_194, %min3A : vector<1x64xf32>
    %add3A_198 = arith.addf %dot_general3A_82, %ceil3A : vector<1x8xf32>
    %broadcast_in_dim3A_199 = arith.constant 0.000000e+00 : f32
    %broadcast_in_dim3A_200 = vector.broadcast %broadcast_in_dim3A_199 : f32 to vector<1x64xf32>
    %slice3A_201 = vector.extract_strided_slice %add3A_198 {offsets = [0, 0], sizes = [1, 1], strides = [1, 1]} : vector<1x8xf32> to vector<1x1xf32>
    %ge3A = vector.broadcast %slice3A_201 : vector<1x1xf32> to vector<1x64xf32>
    %ge3A_202 = arith.cmpf oge, %min3A_197, %ge3A : vector<1x64xf32>
    %convert_element_type3A_203 = arith.extui %ge3A_202 : vector<1x64xi1> to vector<1x64xi32>
    %convert_element_type3A_204 = arith.sitofp %convert_element_type3A_203 : vector<1x64xi32> to vector<1x64xf32>
    %add3A_205 = arith.addf %broadcast_in_dim3A_200, %convert_element_type3A_204 : vector<1x64xf32>
    %slice3A_206 = vector.extract_strided_slice %add3A_198 {offsets = [0, 1], sizes = [1, 1], strides = [1, 1]} : vector<1x8xf32> to vector<1x1xf32>
    %ge3A_207 = vector.broadcast %slice3A_206 : vector<1x1xf32> to vector<1x64xf32>
    %ge3A_208 = arith.cmpf oge, %min3A_197, %ge3A_207 : vector<1x64xf32>
    %convert_element_type3A_209 = arith.extui %ge3A_208 : vector<1x64xi1> to vector<1x64xi32>
    %convert_element_type3A_210 = arith.sitofp %convert_element_type3A_209 : vector<1x64xi32> to vector<1x64xf32>
    %add3A_211 = arith.addf %add3A_205, %convert_element_type3A_210 : vector<1x64xf32>
    %slice3A_212 = vector.extract_strided_slice %add3A_198 {offsets = [0, 2], sizes = [1, 1], strides = [1, 1]} : vector<1x8xf32> to vector<1x1xf32>
    %ge3A_213 = vector.broadcast %slice3A_212 : vector<1x1xf32> to vector<1x64xf32>
    %ge3A_214 = arith.cmpf oge, %min3A_197, %ge3A_213 : vector<1x64xf32>
    %convert_element_type3A_215 = arith.extui %ge3A_214 : vector<1x64xi1> to vector<1x64xi32>
    %convert_element_type3A_216 = arith.sitofp %convert_element_type3A_215 : vector<1x64xi32> to vector<1x64xf32>
    %add3A_217 = arith.addf %add3A_211, %convert_element_type3A_216 : vector<1x64xf32>
    %slice3A_218 = vector.extract_strided_slice %add3A_198 {offsets = [0, 3], sizes = [1, 1], strides = [1, 1]} : vector<1x8xf32> to vector<1x1xf32>
    %ge3A_219 = vector.broadcast %slice3A_218 : vector<1x1xf32> to vector<1x64xf32>
    %ge3A_220 = arith.cmpf oge, %min3A_197, %ge3A_219 : vector<1x64xf32>
    %convert_element_type3A_221 = arith.extui %ge3A_220 : vector<1x64xi1> to vector<1x64xi32>
    %convert_element_type3A_222 = arith.sitofp %convert_element_type3A_221 : vector<1x64xi32> to vector<1x64xf32>
    %add3A_223 = arith.addf %add3A_217, %convert_element_type3A_222 : vector<1x64xf32>
    %slice3A_224 = vector.extract_strided_slice %add3A_198 {offsets = [0, 4], sizes = [1, 1], strides = [1, 1]} : vector<1x8xf32> to vector<1x1xf32>
    %ge3A_225 = vector.broadcast %slice3A_224 : vector<1x1xf32> to vector<1x64xf32>
    %ge3A_226 = arith.cmpf oge, %min3A_197, %ge3A_225 : vector<1x64xf32>
    %convert_element_type3A_227 = arith.extui %ge3A_226 : vector<1x64xi1> to vector<1x64xi32>
    %convert_element_type3A_228 = arith.sitofp %convert_element_type3A_227 : vector<1x64xi32> to vector<1x64xf32>
    %add3A_229 = arith.addf %add3A_223, %convert_element_type3A_228 : vector<1x64xf32>
    %slice3A_230 = vector.extract_strided_slice %add3A_198 {offsets = [0, 5], sizes = [1, 1], strides = [1, 1]} : vector<1x8xf32> to vector<1x1xf32>
    %ge3A_231 = vector.broadcast %slice3A_230 : vector<1x1xf32> to vector<1x64xf32>
    %ge3A_232 = arith.cmpf oge, %min3A_197, %ge3A_231 : vector<1x64xf32>
    %convert_element_type3A_233 = arith.extui %ge3A_232 : vector<1x64xi1> to vector<1x64xi32>
    %convert_element_type3A_234 = arith.sitofp %convert_element_type3A_233 : vector<1x64xi32> to vector<1x64xf32>
    %add3A_235 = arith.addf %add3A_229, %convert_element_type3A_234 : vector<1x64xf32>
    %slice3A_236 = vector.extract_strided_slice %add3A_198 {offsets = [0, 6], sizes = [1, 1], strides = [1, 1]} : vector<1x8xf32> to vector<1x1xf32>
    %ge3A_237 = vector.broadcast %slice3A_236 : vector<1x1xf32> to vector<1x64xf32>
    %ge3A_238 = arith.cmpf oge, %min3A_197, %ge3A_237 : vector<1x64xf32>
    %convert_element_type3A_239 = arith.extui %ge3A_238 : vector<1x64xi1> to vector<1x64xi32>
    %convert_element_type3A_240 = arith.sitofp %convert_element_type3A_239 : vector<1x64xi32> to vector<1x64xf32>
    %add3A_241 = arith.addf %add3A_235, %convert_element_type3A_240 : vector<1x64xf32>
    %slice3A_242 = vector.extract_strided_slice %add3A_198 {offsets = [0, 7], sizes = [1, 1], strides = [1, 1]} : vector<1x8xf32> to vector<1x1xf32>
    %ge3A_243 = vector.broadcast %slice3A_242 : vector<1x1xf32> to vector<1x64xf32>
    %ge3A_244 = arith.cmpf oge, %min3A_197, %ge3A_243 : vector<1x64xf32>
    %convert_element_type3A_245 = arith.extui %ge3A_244 : vector<1x64xi1> to vector<1x64xi32>
    %convert_element_type3A_246 = arith.sitofp %convert_element_type3A_245 : vector<1x64xi32> to vector<1x64xf32>
    %add3A_247 = arith.addf %add3A_241, %convert_element_type3A_246 : vector<1x64xf32>
    %convert_element_type3A_248 = arith.fptosi %add3A_247 : vector<1x64xf32> to vector<1x64xi32>
    %swap3A_249 = arith.constant 0 : index
    %swap3A_250 = arith.constant 0 : index
    %swap3A_251 = vector.load %arg2[%swap3A_249, %swap3A_250] : memref<1x64xi32, #tpu.memory_space<vmem>>, vector<1x64xi32>
    tpu.vector_store %arg2[%swap3A_249, %swap3A_250], %convert_element_type3A_248 {strides = array<i32>} : memref<1x64xi32, #tpu.memory_space<vmem>>, vector<1x64xi32>,
    %convert_element_type3A_252 = arith.fptosi %broadcast_in_dim3A_85 : vector<1x1xf32> to vector<1x1xi32>
    %swap3A_253 = arith.constant 0 : index
    %swap3A_254 = arith.constant 0 : index
    %swap3A_255 = vector.load %arg3[%swap3A_253, %swap3A_254] : memref<1x1xi32, #tpu.memory_space<vmem>>, vector<1x1xi32>
    tpu.vector_store %arg3[%swap3A_253, %swap3A_254], %convert_element_type3A_252 {strides = array<i32>} : memref<1x1xi32, #tpu.memory_space<vmem>>, vector<1x1xi32>,
    return
  }
}

module attributes {stable_mosaic.version = 14 : i64} {
  func.func @_gmm_body(%arg0: i32, %arg1: memref<1xi32, #tpu.memory_space<smem>>, %arg2: memref<64xi32, #tpu.memory_space<smem>>, %arg3: memref<536x1024xf32, #tpu.memory_space<vmem>>, %arg4: memref<1x2048x1024xf32, #tpu.memory_space<vmem>>, %arg5: memref<1x2048x1024xf32, #tpu.memory_space<vmem>>, %arg6: memref<1x1024x2048xf32, #tpu.memory_space<vmem>>, %arg7: memref<1x1x1024xf32, #tpu.memory_space<vmem>>, %arg8: memref<1x1x1024xf32, #tpu.memory_space<vmem>>, %arg9: memref<1x1x2048xf32, #tpu.memory_space<vmem>>, %arg10: memref<1x1x2048xf32, #tpu.memory_space<vmem>>, %arg11: memref<1x1x1024xf32, #tpu.memory_space<vmem>>, %arg12: memref<536x1024xf32, #tpu.memory_space<vmem>>) attributes {dimension_semantics = [#tpu.dimension_semantics<arbitrary>], iteration_bounds = array<i64: 15>, scalar_prefetch = 2 : i64, scratch_operands = 0 : i64, tpu.core_type = #tpu.core_type<tc>, window_params = [{transform_indices = @transform_0, window_bounds = array<i64: 536, 1024>}, {transform_indices = @transform_1, window_bounds = array<i64: 1, 2048, 1024>}, {transform_indices = @transform_2, window_bounds = array<i64: 1, 2048, 1024>}, {transform_indices = @transform_3, window_bounds = array<i64: 1, 1024, 2048>}, {transform_indices = @transform_4, window_bounds = array<i64: 1, 1, 1024>}, {transform_indices = @transform_5, window_bounds = array<i64: 1, 1, 1024>}, {transform_indices = @transform_6, window_bounds = array<i64: 1, 1, 2048>}, {transform_indices = @transform_7, window_bounds = array<i64: 1, 1, 2048>}, {transform_indices = @transform_8, window_bounds = array<i64: 1, 1, 1024>}, {transform_indices = @transform_9, window_bounds = array<i64: 536, 1024>}]} {
    %get3A = arith.constant 0 : index
    %get3A_0 = memref.load %arg1[%get3A] : memref<1xi32, #tpu.memory_space<smem>>
    %lt3A = arith.cmpi slt, %arg0, %get3A_0 : i32
    %convert_element_type3A = arith.extui %lt3A : i1 to i32
    %cond3A = arith.constant 0 : i32
    %cond3A_1 = arith.cmpi ne, %convert_element_type3A, %cond3A : i32
    scf.if %cond3A_1 {
      %get3A_2 = arith.constant 0 : index
      %get3A_3 = arith.constant 0 : index
      %get3A_4 = vector.load %arg3[%get3A_2, %get3A_3] : memref<536x1024xf32, #tpu.memory_space<vmem>>, vector<536x1024xf32>
      %get3A_5 = arith.constant 0 : index
      %get3A_6 = arith.constant 0 : index
      %get3A_7 = arith.constant 0 : index
      %get3A_8 = vector.load %arg7[%get3A_5, %get3A_6, %get3A_7] : memref<1x1x1024xf32, #tpu.memory_space<vmem>>, vector<1x1x1024xf32>
      %get3A_9 = vector.shape_cast %get3A_8 : vector<1x1x1024xf32> to vector<1x1024xf32>
      %mul3A = vector.broadcast %get3A_9 : vector<1x1024xf32> to vector<536x1024xf32>
      %mul3A_10 = arith.mulf %get3A_4, %mul3A : vector<536x1024xf32>
      %get3A_11 = arith.constant 0 : index
      %get3A_12 = arith.constant 0 : index
      %get3A_13 = arith.constant 0 : index
      %get3A_14 = vector.load %arg8[%get3A_11, %get3A_12, %get3A_13] : memref<1x1x1024xf32, #tpu.memory_space<vmem>>, vector<1x1x1024xf32>
      %get3A_15 = vector.shape_cast %get3A_14 : vector<1x1x1024xf32> to vector<1x1024xf32>
      %add3A = vector.broadcast %get3A_15 : vector<1x1024xf32> to vector<536x1024xf32>
      %add3A_16 = arith.addf %mul3A_10, %add3A : vector<536x1024xf32>
      %get3A_17 = arith.constant 0 : index
      %get3A_18 = arith.constant 0 : index
      %get3A_19 = arith.constant 0 : index
      %get3A_20 = vector.load %arg4[%get3A_17, %get3A_18, %get3A_19] : memref<1x2048x1024xf32, #tpu.memory_space<vmem>>, vector<1x2048x1024xf32>
      %get3A_21 = vector.shape_cast %get3A_20 : vector<1x2048x1024xf32> to vector<2048x1024xf32>
      %dot_general3A = arith.constant dense<0.000000e+00> : vector<536x2048xf32>
      %dot_general3A_22 = tpu.matmul %add3A_16, %get3A_21, %dot_general3A {dimension_numbers = #tpu.dot_dimension_numbers<[1], [1], [0], [0], [0, 0, 1, 0], [], []>, transpose_lhs_hint = false} : vector<536x1024xf32>, vector<2048x1024xf32>, vector<536x2048xf32> -> vector<536x2048xf32>
      %get3A_23 = arith.constant 0 : index
      %get3A_24 = arith.constant 0 : index
      %get3A_25 = arith.constant 0 : index
      %get3A_26 = vector.load %arg9[%get3A_23, %get3A_24, %get3A_25] : memref<1x1x2048xf32, #tpu.memory_space<vmem>>, vector<1x1x2048xf32>
      %get3A_27 = vector.shape_cast %get3A_26 : vector<1x1x2048xf32> to vector<1x2048xf32>
      %add3A_28 = vector.broadcast %get3A_27 : vector<1x2048xf32> to vector<536x2048xf32>
      %add3A_29 = arith.addf %dot_general3A_22, %add3A_28 : vector<536x2048xf32>
      %get3A_30 = arith.constant 0 : index
      %get3A_31 = arith.constant 0 : index
      %get3A_32 = arith.constant 0 : index
      %get3A_33 = vector.load %arg5[%get3A_30, %get3A_31, %get3A_32] : memref<1x2048x1024xf32, #tpu.memory_space<vmem>>, vector<1x2048x1024xf32>
      %get3A_34 = vector.shape_cast %get3A_33 : vector<1x2048x1024xf32> to vector<2048x1024xf32>
      %dot_general3A_35 = arith.constant dense<0.000000e+00> : vector<536x2048xf32>
      %dot_general3A_36 = tpu.matmul %add3A_16, %get3A_34, %dot_general3A_35 {dimension_numbers = #tpu.dot_dimension_numbers<[1], [1], [0], [0], [0, 0, 1, 0], [], []>, transpose_lhs_hint = false} : vector<536x1024xf32>, vector<2048x1024xf32>, vector<536x2048xf32> -> vector<536x2048xf32>
      %get3A_37 = arith.constant 0 : index
      %get3A_38 = arith.constant 0 : index
      %get3A_39 = arith.constant 0 : index
      %get3A_40 = vector.load %arg10[%get3A_37, %get3A_38, %get3A_39] : memref<1x1x2048xf32, #tpu.memory_space<vmem>>, vector<1x1x2048xf32>
      %get3A_41 = vector.shape_cast %get3A_40 : vector<1x1x2048xf32> to vector<1x2048xf32>
      %add3A_42 = vector.broadcast %get3A_41 : vector<1x2048xf32> to vector<536x2048xf32>
      %add3A_43 = arith.addf %dot_general3A_36, %add3A_42 : vector<536x2048xf32>
      %jit3A = arith.constant -2.000000e+01 : f32
      %jit3A_44 = arith.constant 2.000000e+01 : f32
      %max3A = vector.broadcast %jit3A : f32 to vector<536x2048xf32>
      %max3A_45 = arith.maximumf %max3A, %add3A_43 : vector<536x2048xf32>
      %min3A = vector.broadcast %jit3A_44 : f32 to vector<536x2048xf32>
      %min3A_46 = arith.minimumf %min3A, %max3A_45 : vector<536x2048xf32>
      %neg3A = arith.constant 0.000000e+00 : f32
      %neg3A_47 = vector.broadcast %neg3A : f32 to vector<536x2048xf32>
      %neg3A_48 = arith.subf %neg3A_47, %min3A_46 : vector<536x2048xf32>
      %exp3A = math.exp %neg3A_48 : vector<536x2048xf32>
      %add3A_49 = arith.constant 1.000000e+00 : f32
      %add3A_50 = vector.broadcast %add3A_49 : f32 to vector<536x2048xf32>
      %add3A_51 = arith.addf %add3A_50, %exp3A : vector<536x2048xf32>
      %div3A = arith.divf %min3A_46, %add3A_51 : vector<536x2048xf32>
      %mul3A_52 = arith.mulf %add3A_29, %div3A : vector<536x2048xf32>
      %jit3A_53 = arith.constant -1.000000e+04 : f32
      %jit3A_54 = arith.constant 1.000000e+04 : f32
      %max3A_55 = vector.broadcast %jit3A_53 : f32 to vector<536x2048xf32>
      %max3A_56 = arith.maximumf %max3A_55, %mul3A_52 : vector<536x2048xf32>
      %min3A_57 = vector.broadcast %jit3A_54 : f32 to vector<536x2048xf32>
      %min3A_58 = arith.minimumf %min3A_57, %max3A_56 : vector<536x2048xf32>
      %get3A_59 = arith.constant 0 : index
      %get3A_60 = arith.constant 0 : index
      %get3A_61 = arith.constant 0 : index
      %get3A_62 = vector.load %arg6[%get3A_59, %get3A_60, %get3A_61] : memref<1x1024x2048xf32, #tpu.memory_space<vmem>>, vector<1x1024x2048xf32>
      %get3A_63 = vector.shape_cast %get3A_62 : vector<1x1024x2048xf32> to vector<1024x2048xf32>
      %dot_general3A_64 = arith.constant dense<0.000000e+00> : vector<536x1024xf32>
      %dot_general3A_65 = tpu.matmul %min3A_58, %get3A_63, %dot_general3A_64 {dimension_numbers = #tpu.dot_dimension_numbers<[1], [1], [0], [0], [0, 0, 1, 0], [], []>, transpose_lhs_hint = false} : vector<536x2048xf32>, vector<1024x2048xf32>, vector<536x1024xf32> -> vector<536x1024xf32>
      %get3A_66 = arith.constant 0 : index
      %get3A_67 = arith.constant 0 : index
      %get3A_68 = arith.constant 0 : index
      %get3A_69 = vector.load %arg11[%get3A_66, %get3A_67, %get3A_68] : memref<1x1x1024xf32, #tpu.memory_space<vmem>>, vector<1x1x1024xf32>
      %get3A_70 = vector.shape_cast %get3A_69 : vector<1x1x1024xf32> to vector<1x1024xf32>
      %add3A_71 = vector.broadcast %get3A_70 : vector<1x1024xf32> to vector<536x1024xf32>
      %add3A_72 = arith.addf %dot_general3A_65, %add3A_71 : vector<536x1024xf32>
      %jit3A_73 = arith.constant -1.000000e+04 : f32
      %jit3A_74 = arith.constant 1.000000e+04 : f32
      %max3A_75 = vector.broadcast %jit3A_73 : f32 to vector<536x1024xf32>
      %max3A_76 = arith.maximumf %max3A_75, %add3A_72 : vector<536x1024xf32>
      %min3A_77 = vector.broadcast %jit3A_74 : f32 to vector<536x1024xf32>
      %min3A_78 = arith.minimumf %min3A_77, %max3A_76 : vector<536x1024xf32>
      %swap3A = arith.constant 0 : index
      %swap3A_79 = arith.constant 0 : index
      %swap3A_80 = vector.load %arg12[%swap3A, %swap3A_79] : memref<536x1024xf32, #tpu.memory_space<vmem>>, vector<536x1024xf32>
      tpu.vector_store %arg12[%swap3A, %swap3A_79], %min3A_78 {strides = array<i32>} : memref<536x1024xf32, #tpu.memory_space<vmem>>, vector<536x1024xf32>,
    } else {
    }
    return
  }
  func.func @transform_0(%arg0: i32, %arg1: memref<1xi32, #tpu.memory_space<smem>>, %arg2: memref<64xi32, #tpu.memory_space<smem>>) -> (i32, i32) {
    %get3A = arith.constant 0 : index
    %get3A_0 = memref.load %arg1[%get3A] : memref<1xi32, #tpu.memory_space<smem>>
    %sub3A = arith.constant 1 : i32
    %sub3A_1 = arith.subi %get3A_0, %sub3A : i32
    %min3A = arith.minsi %arg0, %sub3A_1 : i32
    %c0_i32 = arith.constant 0 : i32
    %c0_i32_2 = arith.constant 0 : i32
    return %min3A, %c0_i32 : i32, i32
  }
  func.func @transform_1(%arg0: i32, %arg1: memref<1xi32, #tpu.memory_space<smem>>, %arg2: memref<64xi32, #tpu.memory_space<smem>>) -> (i32, i32, i32) {
    %get3A = arith.constant 0 : index
    %get3A_0 = memref.load %arg1[%get3A] : memref<1xi32, #tpu.memory_space<smem>>
    %sub3A = arith.constant 1 : i32
    %sub3A_1 = arith.subi %get3A_0, %sub3A : i32
    %min3A = arith.minsi %arg0, %sub3A_1 : i32
    %get3A_2 = arith.index_cast %min3A : i32 to index
    %get3A_3 = memref.load %arg2[%get3A_2] : memref<64xi32, #tpu.memory_space<smem>>
    %c0_i32 = arith.constant 0 : i32
    %c0_i32_4 = arith.constant 0 : i32
    %c0_i32_5 = arith.constant 0 : i32
    return %get3A_3, %c0_i32, %c0_i32_4 : i32, i32, i32
  }
  func.func @transform_2(%arg0: i32, %arg1: memref<1xi32, #tpu.memory_space<smem>>, %arg2: memref<64xi32, #tpu.memory_space<smem>>) -> (i32, i32, i32) {
    %get3A = arith.constant 0 : index
    %get3A_0 = memref.load %arg1[%get3A] : memref<1xi32, #tpu.memory_space<smem>>
    %sub3A = arith.constant 1 : i32
    %sub3A_1 = arith.subi %get3A_0, %sub3A : i32
    %min3A = arith.minsi %arg0, %sub3A_1 : i32
    %get3A_2 = arith.index_cast %min3A : i32 to index
    %get3A_3 = memref.load %arg2[%get3A_2] : memref<64xi32, #tpu.memory_space<smem>>
    %c0_i32 = arith.constant 0 : i32
    %c0_i32_4 = arith.constant 0 : i32
    %c0_i32_5 = arith.constant 0 : i32
    return %get3A_3, %c0_i32, %c0_i32_4 : i32, i32, i32
  }
  func.func @transform_3(%arg0: i32, %arg1: memref<1xi32, #tpu.memory_space<smem>>, %arg2: memref<64xi32, #tpu.memory_space<smem>>) -> (i32, i32, i32) {
    %get3A = arith.constant 0 : index
    %get3A_0 = memref.load %arg1[%get3A] : memref<1xi32, #tpu.memory_space<smem>>
    %sub3A = arith.constant 1 : i32
    %sub3A_1 = arith.subi %get3A_0, %sub3A : i32
    %min3A = arith.minsi %arg0, %sub3A_1 : i32
    %get3A_2 = arith.index_cast %min3A : i32 to index
    %get3A_3 = memref.load %arg2[%get3A_2] : memref<64xi32, #tpu.memory_space<smem>>
    %c0_i32 = arith.constant 0 : i32
    %c0_i32_4 = arith.constant 0 : i32
    %c0_i32_5 = arith.constant 0 : i32
    return %get3A_3, %c0_i32, %c0_i32_4 : i32, i32, i32
  }
  func.func @transform_4(%arg0: i32, %arg1: memref<1xi32, #tpu.memory_space<smem>>, %arg2: memref<64xi32, #tpu.memory_space<smem>>) -> (i32, i32, i32) {
    %get3A = arith.constant 0 : index
    %get3A_0 = memref.load %arg1[%get3A] : memref<1xi32, #tpu.memory_space<smem>>
    %sub3A = arith.constant 1 : i32
    %sub3A_1 = arith.subi %get3A_0, %sub3A : i32
    %min3A = arith.minsi %arg0, %sub3A_1 : i32
    %get3A_2 = arith.index_cast %min3A : i32 to index
    %get3A_3 = memref.load %arg2[%get3A_2] : memref<64xi32, #tpu.memory_space<smem>>
    %c0_i32 = arith.constant 0 : i32
    %c0_i32_4 = arith.constant 0 : i32
    %c0_i32_5 = arith.constant 0 : i32
    return %get3A_3, %c0_i32, %c0_i32_4 : i32, i32, i32
  }
  func.func @transform_5(%arg0: i32, %arg1: memref<1xi32, #tpu.memory_space<smem>>, %arg2: memref<64xi32, #tpu.memory_space<smem>>) -> (i32, i32, i32) {
    %get3A = arith.constant 0 : index
    %get3A_0 = memref.load %arg1[%get3A] : memref<1xi32, #tpu.memory_space<smem>>
    %sub3A = arith.constant 1 : i32
    %sub3A_1 = arith.subi %get3A_0, %sub3A : i32
    %min3A = arith.minsi %arg0, %sub3A_1 : i32
    %get3A_2 = arith.index_cast %min3A : i32 to index
    %get3A_3 = memref.load %arg2[%get3A_2] : memref<64xi32, #tpu.memory_space<smem>>
    %c0_i32 = arith.constant 0 : i32
    %c0_i32_4 = arith.constant 0 : i32
    %c0_i32_5 = arith.constant 0 : i32
    return %get3A_3, %c0_i32, %c0_i32_4 : i32, i32, i32
  }
  func.func @transform_6(%arg0: i32, %arg1: memref<1xi32, #tpu.memory_space<smem>>, %arg2: memref<64xi32, #tpu.memory_space<smem>>) -> (i32, i32, i32) {
    %get3A = arith.constant 0 : index
    %get3A_0 = memref.load %arg1[%get3A] : memref<1xi32, #tpu.memory_space<smem>>
    %sub3A = arith.constant 1 : i32
    %sub3A_1 = arith.subi %get3A_0, %sub3A : i32
    %min3A = arith.minsi %arg0, %sub3A_1 : i32
    %get3A_2 = arith.index_cast %min3A : i32 to index
    %get3A_3 = memref.load %arg2[%get3A_2] : memref<64xi32, #tpu.memory_space<smem>>
    %c0_i32 = arith.constant 0 : i32
    %c0_i32_4 = arith.constant 0 : i32
    %c0_i32_5 = arith.constant 0 : i32
    return %get3A_3, %c0_i32, %c0_i32_4 : i32, i32, i32
  }
  func.func @transform_7(%arg0: i32, %arg1: memref<1xi32, #tpu.memory_space<smem>>, %arg2: memref<64xi32, #tpu.memory_space<smem>>) -> (i32, i32, i32) {
    %get3A = arith.constant 0 : index
    %get3A_0 = memref.load %arg1[%get3A] : memref<1xi32, #tpu.memory_space<smem>>
    %sub3A = arith.constant 1 : i32
    %sub3A_1 = arith.subi %get3A_0, %sub3A : i32
    %min3A = arith.minsi %arg0, %sub3A_1 : i32
    %get3A_2 = arith.index_cast %min3A : i32 to index
    %get3A_3 = memref.load %arg2[%get3A_2] : memref<64xi32, #tpu.memory_space<smem>>
    %c0_i32 = arith.constant 0 : i32
    %c0_i32_4 = arith.constant 0 : i32
    %c0_i32_5 = arith.constant 0 : i32
    return %get3A_3, %c0_i32, %c0_i32_4 : i32, i32, i32
  }
  func.func @transform_8(%arg0: i32, %arg1: memref<1xi32, #tpu.memory_space<smem>>, %arg2: memref<64xi32, #tpu.memory_space<smem>>) -> (i32, i32, i32) {
    %get3A = arith.constant 0 : index
    %get3A_0 = memref.load %arg1[%get3A] : memref<1xi32, #tpu.memory_space<smem>>
    %sub3A = arith.constant 1 : i32
    %sub3A_1 = arith.subi %get3A_0, %sub3A : i32
    %min3A = arith.minsi %arg0, %sub3A_1 : i32
    %get3A_2 = arith.index_cast %min3A : i32 to index
    %get3A_3 = memref.load %arg2[%get3A_2] : memref<64xi32, #tpu.memory_space<smem>>
    %c0_i32 = arith.constant 0 : i32
    %c0_i32_4 = arith.constant 0 : i32
    %c0_i32_5 = arith.constant 0 : i32
    return %get3A_3, %c0_i32, %c0_i32_4 : i32, i32, i32
  }
  func.func @transform_9(%arg0: i32, %arg1: memref<1xi32, #tpu.memory_space<smem>>, %arg2: memref<64xi32, #tpu.memory_space<smem>>) -> (i32, i32) {
    %get3A = arith.constant 0 : index
    %get3A_0 = memref.load %arg1[%get3A] : memref<1xi32, #tpu.memory_space<smem>>
    %sub3A = arith.constant 1 : i32
    %sub3A_1 = arith.subi %get3A_0, %sub3A : i32
    %min3A = arith.minsi %arg0, %sub3A_1 : i32
    %c0_i32 = arith.constant 0 : i32
    %c0_i32_2 = arith.constant 0 : i32
    return %min3A, %c0_i32 : i32, i32
  }
}

module attributes {stable_mosaic.version = 14 : i64} {
  func.func @_blend_body(%arg0: i32, %arg1: memref<512x1024xf32, #tpu.memory_space<vmem>>, %arg2: memref<512x1024xf32, #tpu.memory_space<vmem>>, %arg3: memref<512x1xf32, #tpu.memory_space<vmem>>, %arg4: memref<512x1xf32, #tpu.memory_space<vmem>>, %arg5: memref<512x1024xf32, #tpu.memory_space<vmem>>) attributes {dimension_semantics = [#tpu.dimension_semantics<arbitrary>], iteration_bounds = array<i64: 4>, scalar_prefetch = 0 : i64, scratch_operands = 0 : i64, tpu.core_type = #tpu.core_type<tc>, window_params = [{transform_indices = @transform_0, window_bounds = array<i64: 512, 1024>}, {transform_indices = @transform_1, window_bounds = array<i64: 512, 1024>}, {transform_indices = @transform_2, window_bounds = array<i64: 512, 1>}, {transform_indices = @transform_3, window_bounds = array<i64: 512, 1>}, {transform_indices = @transform_4, window_bounds = array<i64: 512, 1024>}]} {
    %get3A = arith.constant 0 : index
    %get3A_0 = arith.constant 0 : index
    %get3A_1 = vector.load %arg3[%get3A, %get3A_0] : memref<512x1xf32, #tpu.memory_space<vmem>>, vector<512x1xf32>
    %get3A_2 = arith.constant 0 : index
    %get3A_3 = arith.constant 0 : index
    %get3A_4 = vector.load %arg1[%get3A_2, %get3A_3] : memref<512x1024xf32, #tpu.memory_space<vmem>>, vector<512x1024xf32>
    %mul3A = vector.broadcast %get3A_1 : vector<512x1xf32> to vector<512x1024xf32>
    %mul3A_5 = arith.mulf %mul3A, %get3A_4 : vector<512x1024xf32>
    %get3A_6 = arith.constant 0 : index
    %get3A_7 = arith.constant 0 : index
    %get3A_8 = vector.load %arg4[%get3A_6, %get3A_7] : memref<512x1xf32, #tpu.memory_space<vmem>>, vector<512x1xf32>
    %get3A_9 = arith.constant 0 : index
    %get3A_10 = arith.constant 0 : index
    %get3A_11 = vector.load %arg2[%get3A_9, %get3A_10] : memref<512x1024xf32, #tpu.memory_space<vmem>>, vector<512x1024xf32>
    %mul3A_12 = vector.broadcast %get3A_8 : vector<512x1xf32> to vector<512x1024xf32>
    %mul3A_13 = arith.mulf %mul3A_12, %get3A_11 : vector<512x1024xf32>
    %add3A = arith.addf %mul3A_5, %mul3A_13 : vector<512x1024xf32>
    %swap3A = arith.constant 0 : index
    %swap3A_14 = arith.constant 0 : index
    %swap3A_15 = vector.load %arg5[%swap3A, %swap3A_14] : memref<512x1024xf32, #tpu.memory_space<vmem>>, vector<512x1024xf32>
    tpu.vector_store %arg5[%swap3A, %swap3A_14], %add3A {strides = array<i32>} : memref<512x1024xf32, #tpu.memory_space<vmem>>, vector<512x1024xf32>,
    return
  }
  func.func @transform_0(%arg0: i32) -> (i32, i32) {
    %c0_i32 = arith.constant 0 : i32
    %c0_i32_0 = arith.constant 0 : i32
    return %arg0, %c0_i32 : i32, i32
  }
  func.func @transform_1(%arg0: i32) -> (i32, i32) {
    %c0_i32 = arith.constant 0 : i32
    %c0_i32_0 = arith.constant 0 : i32
    return %arg0, %c0_i32 : i32, i32
  }
  func.func @transform_2(%arg0: i32) -> (i32, i32) {
    %c0_i32 = arith.constant 0 : i32
    %c0_i32_0 = arith.constant 0 : i32
    return %arg0, %c0_i32 : i32, i32
  }
  func.func @transform_3(%arg0: i32) -> (i32, i32) {
    %c0_i32 = arith.constant 0 : i32
    %c0_i32_0 = arith.constant 0 : i32
    return %arg0, %c0_i32 : i32, i32
  }
  func.func @transform_4(%arg0: i32) -> (i32, i32) {
    %c0_i32 = arith.constant 0 : i32
    %c0_i32_0 = arith.constant 0 : i32
    return %arg0, %c0_i32 : i32, i32
  }
}

</mosaic_0001>

<sc_bundles>
// kernel: kernel.11.cloned.1.call-start
scs
__scs_entry_jumppad:
0x0: {  	(pc) =	sbr.rel $0x88, $3  }
0x1: {  	(tag) =	ssettag $0x0;
	lr =	simm.s32 $0x1  }
0x2: {  	[smem:$0x3F95] =	sst lr;
	_ =	strace $0xD0000000  }
0x3: {  	_ = 	snop  }
0x4: {  	_ = 	snop  }
0x5: {  	_ = 	snop  }
0x6: {  	_ = 	snop  }
0x7: {  	_ = 	snop  }
__scs_overlays_trampoline_lowered:
0x8: {  	[smem:$0x3FA4] =	sst s0  }
0x9: {  	[smem:$0x3FA5] =	sst s1  }
0xa: {  	[smem:$0x3FA6] =	sst s2  }
0xb: {  	[smem:$0x3FA7] =	sst s3  }
0xc: {  	[smem:$0x3FA8] =	sst s4  }
0xd: {  	[smem:$0x3FA9] =	sst s5  }
0xe: {  	[smem:$0x3FAA] =	sst s6  }
0xf: {  	[smem:$0x3FAB] =	sst s7  }
0x10: {  	[smem:$0x3FAC] =	sst s8  }
0x11: {  	[smem:$0x3FAD] =	sst s9;
	s0 =	simm.s32 @!p0 $0x0  }
0x12: {  	s1 =	sld [smem:$0x3F93];
	s0 =	simm.s32 @p0 $0x1  }
0x13: {  	[smem:$0x3FAE] =	sst s0;
	s0 =	simm.s32 @!p1 $0x0  }
0x14: {  	s2 =	sld [smem:$0x3F92];
	s0 =	simm.s32 @p1 $0x1  }
0x15: {  	[smem:$0x3FAF] =	sst s0;
	s0 =	simm.s32 @!p2 $0x0  }
0x16: {  	s3 =	sld [smem:$0x3FDB];
	s0 =	simm.s32 @p2 $0x1  }
0x17: {  	s4 =	simm.s32 $0x1BF5;
	[smem:$0x3FB1] =	sst s0  }
0x18: {  	s0 =	sld [smem:$0x3F94];
	_ =	swait.ge [sflag:s4], $0x0  }
0x19: {  	s7 =	sld [smem:$0x3F95]  }
0x1a: {  	s8 =	sadd.s32 $0xFFFFE003, lr  }
0x1b: {  	s9 =	sadd.s32 $0xFFFFFEF7, lr;
	s5 =	simm.s32 $0xFFFFFFFF;
	p2 =	slt.u32 s8, $0xFFFFF086  }
0x1c: {  	p1 =	slt.u32 s9, $0xF7A;
	s5 =	simm.s32 @!p2 $0x0  }
0x1d: {  	s5 =	simm.s32 @p1 $0x1;
	p0 =	seq.s32 s7, s2  }
0x1e: {  	s7 =	smul.u32 @!p0 $0xF7A, s2;
	p2 =	seq.s32 @!p0 s5, $0x0  }
0x1f: {  	s9 =	smul.u32 $0xF7A, s1;
	s8 =	simm.s32 @!p0 $0x1BF5;
	p2 =	por !p2, p0  }
0x20: {  	[sflag:s8] =	ssyncset.s32 @!p0 $0xFFFFF086;
	s6 =	sadd.s32 @!p0 s3, s7;
	s7 =	simm.s32 @!p0 $0x108  }
0x21: {  	s3 =	sadd.s32 s3, s9;
	s6 =	sadd.s32 @!p0 $0x88, s6;
	s7 =	simm.s32 @p2 $0x1082  }
0x22: {  	[simem:s7], [sflag:s8] =	dma.local @!p0 [hbm:s6], $0xF7A  }
0x23: {  	s9 =	sor.u32 $0xD0000000, s2;
	s6 =	simm.s32 $0x108;
	_ =	swait.ge @!p0 [sflag:s8], $0x0  }
0x24: {  	s3 =	sadd.s32 $0x88, s3;
	s6 =	simm.s32 @!p1 $0x1082;
	[sflag:s4] =	ssyncset.s32 $0xFFFFF086  }
0x25: {  	[simem:s6], [sflag:s4] =	dma.local [hbm:s3], $0xF7A  }
0x26: {  	[smem:$0x3F95] =	sst s1;
	(tag) =	ssettag s2;
	_ =	strace s9  }
0x27: {  	s1 =	sld [smem:$0x3FA5]  }
0x28: {  	s2 =	sld [smem:$0x3FA6]  }
0x29: {  	s4 =	sld [smem:$0x3FA8]  }
0x2a: {  	p0 =	seq.s32 s5, $0x0;
	s5 =	sld [smem:$0x3FA9]  }
0x2b: {  	s6 =	sld [smem:$0x3FAA]  }
0x2c: {  	s7 =	sld [smem:$0x3FAB]  }
0x2d: {  	s3 =	simm.s32 $0x108;
	s8 =	sld [smem:$0x3FAC]  }
0x2e: {  	s3 =	simm.s32 @!p0 $0x1082;
	s9 =	sld [smem:$0x3FAD]  }
0x2f: {  	lr =	sadd.s32 s0, s3;
	s0 =	sld [smem:$0x3FA4]  }
0x30: {  	s3 =	sld [smem:$0x3FA7]  }
0x31: {  	[smem:$0x3FB0] =	sst s10  }
0x32: {  	s10 =	sld [smem:$0x3FAE];
	_ =	sdelay $0x3  }
0x33: {  	p0 =	seq.s32 s10, $0x1;
	s10 =	sld [smem:$0x3FB0];
	_ =	sdelay $0x3  }
0x34: {  	[smem:$0x3FB0] =	sst s10  }
0x35: {  	s10 =	sld [smem:$0x3FAF];
	_ =	sdelay $0x3  }
0x36: {  	p1 =	seq.s32 s10, $0x1;
	s10 =	sld [smem:$0x3FB0];
	_ =	sdelay $0x3  }
0x37: {  	[smem:$0x3FB0] =	sst s10  }
0x38: {  	s10 =	sld [smem:$0x3FB1]  }
0x39: {  	_ = 	snop;
	(pc) =	sbr.ind lr, $3  }
0x3a: {  	_ = 	snop  }
0x3b: {  	_ = 	snop  }
0x3c: {  	p2 =	seq.s32 s10, $0x1;
	s10 =	sld [smem:$0x3FB0]  }
0x3d: {  	_ =	shalt  }
0x3e: {  	_ =	shalt  }
0x3f: {  	_ =	shalt  }
0x40: {  	_ =	shalt  }
0x41: {  	_ =	shalt  }
0x42: {  	_ =	shalt  }
0x43: {  	_ =	shalt  }
0x44: {  	_ =	shalt  }
0x45: {  	_ =	shalt  }
0x46: {  	_ =	shalt  }
0x47: {  	_ =	shalt  }
0x48: {  	_ =	shalt  }
0x49: {  	_ =	shalt  }
0x4a: {  	_ =	shalt  }
0x4b: {  	_ =	shalt  }
0x4c: {  	_ =	shalt  }
0x4d: {  	_ =	shalt  }
0x4e: {  	_ =	shalt  }
0x4f: {  	_ =	shalt  }
0x50: {  	_ =	shalt  }
0x51: {  	_ =	shalt  }
0x52: {  	_ =	shalt  }
0x53: {  	_ =	shalt  }
0x54: {  	_ =	shalt  }
0x55: {  	_ =	shalt  }
0x56: {  	_ =	shalt  }
0x57: {  	_ =	shalt  }
0x58: {  	_ =	shalt  }
0x59: {  	_ =	shalt  }
0x5a: {  	_ =	shalt  }
0x5b: {  	_ =	shalt  }
0x5c: {  	_ =	shalt  }
0x5d: {  	_ =	shalt  }
0x5e: {  	_ =	shalt  }
0x5f: {  	_ =	shalt  }
0x60: {  	_ =	shalt  }
0x61: {  	_ =	shalt  }
0x62: {  	_ =	shalt  }
0x63: {  	_ =	shalt  }
0x64: {  	_ =	shalt  }
0x65: {  	_ =	shalt  }
0x66: {  	_ =	shalt  }
0x67: {  	_ =	shalt  }
0x68: {  	_ =	shalt  }
0x69: {  	_ =	shalt  }
0x6a: {  	_ =	shalt  }
0x6b: {  	_ =	shalt  }
0x6c: {  	_ =	shalt  }
0x6d: {  	_ =	shalt  }
0x6e: {  	_ =	shalt  }
0x6f: {  	_ =	shalt  }
0x70: {  	_ =	shalt  }
0x71: {  	_ =	shalt  }
0x72: {  	_ =	shalt  }
0x73: {  	_ =	shalt  }
0x74: {  	_ =	shalt  }
0x75: {  	_ =	shalt  }
0x76: {  	_ =	shalt  }
0x77: {  	_ =	shalt  }
0x78: {  	_ =	shalt  }
0x79: {  	_ =	shalt  }
0x7a: {  	_ =	shalt  }
0x7b: {  	_ =	shalt  }
0x7c: {  	_ =	shalt  }
0x7d: {  	_ =	shalt  }
0x7e: {  	_ =	shalt  }
0x7f: {  	_ =	shalt  }
0x80: {  	_ =	shalt  }
0x81: {  	_ =	shalt  }
0x82: {  	_ =	shalt  }
0x83: {  	_ =	shalt  }
0x84: {  	_ =	shalt  }
0x85: {  	_ =	shalt  }
0x86: {  	_ =	shalt  }
0x87: {  	_ =	shalt  }
.Lfunc_end0:
.L_simem_size_0:
called_computation.1_lowered:
.L_overlay_start_0:
0x88: {  	s2 =	sld [smem:$0x3FD9]  }
0x89: {  	s3 =	sld [smem:$0x3FFE];
	_ =	sdelay $0x1  }
0x8a: {  	s1 =	srdreg.scid  }
0x8b: {  	s0 =	sand.u32 $0x1, s1  }
0x8c: {  	s17 =	sshll.u32 s0, $0xA;
	s2 =	sadd.s32 s3, s2  }
0x8d: {  	s2 =	sadd.s32 s2, s17  }
0x8e: {  	[smem:$0x3FBC] =	sst s2  }
0x8f: {  	_ = 	snop  }
0x90: {  	s2 =	sld [smem:$0x3FD0];
	(tm) =	ssettm $0x1  }
0x91: {  	s18 =	sld [smem:$0x3FFB];
	_ =	sdelay $0x3  }
0x92: {  	_ =	strace s18  }
0x93: {  	s3 =	sld [smem:$0x3FFC];
	_ =	sdelay $0x3  }
0x94: {  	_ =	strace s3  }
0x95: {  	s3 =	sld [smem:$0x3FFD];
	_ =	sdelay $0x3  }
0x96: {  	_ =	strace s3  }
0x97: {  	_ =	strace $0x8FFFFFFF  }
0x98: {  	s19 =	sld [smem:$0x3FDB];
	_ =	sdelay $0x1  }
0x99: {  	s4 =	simm.s32 $_scs_section_size  }
0x9a: {  	s5 =	simm.s32 $_size__tile_overlayer_lowered;
	s6 =	simm.s32 $_tile_overlayer_lowered  }
0x9b: {  	s22 =	simm.s32 $0x1BFF;
	s21 =	sshll.u32 s6, $0x1;
	s3 =	sadd.s32 s4, s19  }
0x9c: {  	s7 =	simm.s32 $0x0;
	s20 =	sshll.u32 s5, $0x1;
	s5 =	sadd.s32 s21, s3  }
0x9d: {  	[timem:s7], [sflag:s22] =	dma.local [hbm:s5], s20  }
0x9e: {  	_ =	swait.ge [sflag:s22], s20  }
0x9f: {  	s4 =	ssub.s32 $0x0, s20;
	[sflag:s22] =	ssyncset.done $0x0  }
0xa0: {  	[sflag:s22] =	ssyncadd.s32 s4;
	_ =	sdelay $0x1  }
0xa1: {  	s23 =	simm.s32 $0x1B8B  }
0xa2: {  	_ =	swait.ge [sflag:s23], $0x1  }
0xa3: {  	[sflag:s23] =	ssyncset.done $0x0  }
0xa4: {  	s25 =	simm.s32 $0x1B8E;
	s24 =	sld [smem:$0x3FFE];
	[sflag:s23] =	ssyncadd.s32 $0xFFFFFFFF  }
0xa5: {  	s26 =	simm.s32 $execute0_lowered;
	[smem:$0x3FD2] =	sst s25  }
0xa6: {  	s5 =	sshll.u32 s26, $0x1;
	_ =	strace $0x80000049;
	[dreg:$0x1] =	wrdreg $0xFFFFFFFF  }
0xa7: {  	s28 =	simm.s32 $_size_execute0_lowered;
	s3 =	sadd.s32 s3, s5;
	[dreg:$0x0] =	wrdreg $0x0  }
0xa8: {  	s5 =	sshll.u32 s28, $0x1;
	[dreg:$0x2] =	wrdreg s3  }
0xa9: {  	[dreg:$0x3] =	wrdreg s5  }
0xaa: {  	[dreg:$0x4] =	wrdreg $0xC0  }
0xab: {  	_ =	task [dreg:s7], $0x5FFFF  }
0xac: {  	[dreg:$0x1] =	wrdreg $0xFFFFFFFF  }
0xad: {  	[dreg:$0x0] =	wrdreg $0x60  }
0xae: {  	[dreg:$0x2] =	wrdreg s24  }
0xaf: {  	[dreg:$0x3] =	wrdreg s2  }
0xb0: {  	[dreg:$0x4] =	wrdreg $0x9  }
0xb1: {  	_ =	task.clear_ibuf [dreg:s7], $0x5FFFF;
	_ =	strace $0x90000049  }
0xb2: {  	s29 =	simm.s32 $0x9;
	_ =	strace $0x8000004B  }
0xb3: {  	_ =	swait.ge [sflag:s29], $0x1  }
0xb4: {  	[sflag:s29] =	ssyncadd.s32 $0xFFFFFFFF  }
0xb5: {  	_ =	strace $0x9000004B  }
0xb6: {  	_ =	sfence  }
0xb7: {  	s30 =	sld [smem:$0x0];
	_ =	sdelay $0x2  }
0xb8: {  	s31 =	sshll.u32 s1, $0xD;
	s1 =	sshrl.u32 s1, $0x2  }
0xb9: {  	s3 =	sand.u32 $0x4000, s31;
	s1 =	sadd.s32 s1, s30  }
0xba: {  	s0 =	sor.u32 s3, s0;
	s1 =	sshll.u32 s1, $0x11  }
0xbb: {  	s0 =	sor.u32 s1, s0  }
0xbc: {  	s0 =	sadd.s32 $0x8F2B, s0  }
0xbd: {  	[sflag:s0] =	ssyncadd.remote.s32 $0x1  }
0xbe: {  	_ =	sfence.sel $0xFFFF  }
0xbf: {  	[dreg:$0x0] =	wrdreg $0xFFFFFFFF;
	(pc) =	sbr.abs _section_cstart, $3  }
0xc0: {  	[dreg:$0x1] =	wrdreg $0xFFFFFFFF  }
0xc1: {  	_ =	task.clear_ibuf [dreg:s7], $0x2FFFF;
	_ =	strace $0x9FFFFFFF  }
0xc2: {  	(tm) =	ssettm $0x7FFFFFFF  }
0xc3: {  	_ =	shalt  }
tec
execute0_lowered:
.L_overlay_start_1:
0x0: {  	(tag) =	ssettag $0x1  }
0x1: {  	s0 =	rddreg [dreg:$0x0]  }
0x2: {  	s1 =	rddreg [dreg:$0x1];
	s3 =	srdreg.scid;
	s2 =	simm.s32 $0x0  }
0x3: {  	s8 =	stileid.u32;
	s26 =	simm.s32 $0x200;
	s28 =	simm.s32 $0xC00  }
0x4: {  	s29 =	simm.s32 $0x1400;
	s30 =	simm.s32 $0x1C00;
	s31 =	simm.s32 $0x2400  }
0x5: {  	s10 =	simm.s32 $0x3C00;
	s12 =	simm.s32 $0x8C00;
	s13 =	simm.s32 $0x9400  }
0x6: {  	s14 =	simm.s32 $0x9C00;
	s11 =	simm.s32 $0x4400;
	s4 =	sand.u32 $0x1, s3  }
0x7: {  	[smem:$0x7FF] =	sst s2;
	s15 =	sshll.u32 s8, $0x7;
	s3 =	sadd.s32 $0x109C00, s0  }
0x8: {  	s6 =	sadd.s32 $0xB000, s0;
	s8 =	sshll.u32 s8, $0xE;
	s5 =	sshll.u32 s4, $0x6  }
0x9: {  	_ =	strace $0x8000004A;
	s9 =	sshll.u32 s4, $0xD;
	s4 =	ssub.s32 $0x2, s4  }
0xa: {  	[dreg:$0xd] =	wrdreg s26;
	s26 =	simm.s32 $0x8400;
	s5 =	sor.u32 s5, s15  }
0xb: {  	s16 =	sor.u32 s9, s8;
	s19 =	sshrl.u32 s4, $0x1;
	s15 =	simm.s32 $0xA400  }
0xc: {  	s5 =	sadd.s32 s5, s0;
	s17 =	sadd.s32 s1, s16;
	s18 =	sadd.s32 s6, s16  }
0xd: {  	s8 =	sor.u32 $0x800, s16;
	s22 =	sor.u32 $0x1000, s16;
	[dreg:$0x5] =	wrdreg s17  }
0xe: {  	s9 =	ssub.s32 s4, s19;
	s7 =	sadd.s32 $0x107000, s5;
	[dreg:$0x6] =	wrdreg s18  }
0xf: {  	s4 =	sadd.s32 $0x109D00, s0;
	s5 =	sadd.s32 $0x107800, s5;
	[dreg:$0x3] =	wrdreg s7  }
0x10: {  	s19 =	simm.s32 $0xBC00;
	s20 =	sadd.s32 s1, s8;
	[dreg:$0x4] =	wrdreg s5  }
0x11: {  	s21 =	sadd.s32 s6, s8;
	s23 =	sadd.s32 s1, s22;
	[dreg:$0x7] =	wrdreg s20  }
0x12: {  	s24 =	sadd.s32 s6, s22;
	s22 =	simm.s32 $0x4;
	[dreg:$0x8] =	wrdreg s21  }
0x13: {  	s17 =	simm.s32 $0x400;
	s8 =	simm.s32 $0x2C00;
	[dreg:$0x9] =	wrdreg s23  }
0x14: {  	s18 =	simm.s32 $0xB400;
	s7 =	sor.u32 $0x1800, s16;
	[dreg:$0xa] =	wrdreg s24  }
0x15: {  	s5 =	sadd.s32 $0x109E00, s0;
	s20 =	simm.s32 $0x2;
	s21 =	simm.s32 $0x3  }
0x16: {  	v2 =	vlaneseq.u32;
	s16 =	simm.s32 $0xAC00;
	s1 =	sadd.s32 s1, s7;
	s25 =	sadd.s32 s6, s7  }
0x17: {  	vm0 =	vmmov $0xffff;
	v1 =	vshrl.u32 v2, $0x3;
	s6 =	sadd.s32 $0x109F00, s0;
	s7 =	smax.u32 s9, $0x1;
	[dreg:$0xb] =	wrdreg s1  }
0x18: {  	v0 =	vand.u32 $0x7, v2;
	v2 =	vor.u32 $0x8, v2;
	v1 =	vmul.u32 $0x8, v1;
	s9 =	simm.s32 $0x4C00;
	[dreg:$0xc] =	wrdreg s25;
	s25 =	simm.s32 $0x1  }
.LBB2_1:
0x19: {  	s23 =	rddreg [dreg:$0x3];
	s0 =	simm.s32 $0x5  }
0x1a: {  	[tilespmem:s2], [sflag:$0x5] =	stream.linear.gather [hbm4b:s23+s2], $0x200, $0x38;
	[tilespmem:$0x10400] =	vst v63  }
0x1b: {  	_ =	swait.ge [sflag:s0], $0x200  }
0x1c: {  	s1 =	rddreg [dreg:$0x4];
	[sflag:s0] =	ssyncset.done $0x0  }
0x1d: {  	s24 =	rddreg [dreg:$0xd];
	[sflag:s0] =	ssyncadd.s32 $0xFFFFFE00  }
0x1e: {  	[tilespmem:s24], [sflag:$0x5] =	stream.linear.gather [hbm4b:s1+s2], $0x200, $0x38;
	[tilespmem:$0x10400] =	vst v63  }
0x1f: {  	_ =	swait.ge [sflag:s0], $0x200  }
0x20: {  	[sflag:s0] =	ssyncset.done $0x0  }
0x21: {  	[sflag:s0] =	ssyncadd.s32 $0xFFFFFE00  }
0x22: {  	v3 =	vld [tilespmem:$0x0];
	_ =	sdelay $0x4  }
0x23: {  	v4 =	vshll.u32 v3, $0x3  }
0x24: {  	v3 =	vand.u32 $0x7, v3;
	v4 =	vand.u32 $0xFFFFFFC0, v4  }
0x25: {  	v3 =	vor.u32 v3, v4  }
0x26: {  	v4 =	vperm.xlane v3, v0;
	_ =	sdelay $0x1  }
0x27: {  	v4 =	vadd.s32 v1, v4;
	_ =	sdelay $0x4  }
0x28: {  	[tilespmem:s17], [sflag:$0x1] =	stream.indirect_vreg.gather [hbm4b:s3+s2], $0x80, v4, vm0, $0xb8;
	[tilespmem:$0x10400] =	vst v63  }
0x29: {  	v3 =	vperm.xlane v3, v2  }
0x2a: {  	[tilespmem:s28], [sflag:$0x1] =	stream.indirect_vreg.gather [hbm4b:s4+s2], $0x80, v4, vm0, $0xb8;
	[tilespmem:$0x10400] =	vst v63  }
0x2b: {  	v3 =	vadd.s32 v1, v3  }
0x2c: {  	[tilespmem:s29], [sflag:$0x1] =	stream.indirect_vreg.gather [hbm4b:s5+s2], $0x80, v4, vm0, $0xb8;
	[tilespmem:$0x10400] =	vst v63  }
0x2d: {  	_ = 	snop  }
0x2e: {  	[tilespmem:s30], [sflag:$0x1] =	stream.indirect_vreg.gather [hbm4b:s6+s2], $0x80, v4, vm0, $0xb8;
	[tilespmem:$0x10400] =	vst v63  }
0x2f: {  	_ = 	snop  }
0x30: {  	[tilespmem:s31], [sflag:$0x1] =	stream.indirect_vreg.gather [hbm4b:s3+s2], $0x80, v3, vm0, $0xb8;
	[tilespmem:$0x10400] =	vst v63  }
0x31: {  	_ = 	snop  }
0x32: {  	[tilespmem:s8], [sflag:$0x1] =	stream.indirect_vreg.gather [hbm4b:s4+s2], $0x80, v3, vm0, $0xb8;
	[tilespmem:$0x10400] =	vst v63  }
0x33: {  	s1 =	simm.s32 $0x3400  }
0x34: {  	[tilespmem:s1], [sflag:$0x1] =	stream.indirect_vreg.gather [hbm4b:s5+s2], $0x80, v3, vm0, $0xb8;
	[tilespmem:$0x10400] =	vst v63  }
0x35: {  	_ = 	snop  }
0x36: {  	[tilespmem:s10], [sflag:$0x1] =	stream.indirect_vreg.gather [hbm4b:s6+s2], $0x80, v3, vm0, $0xb8;
	[tilespmem:$0x10400] =	vst v63  }
0x37: {  	v3 =	vld [tilespmem:$0x200];
	_ =	sdelay $0x4  }
0x38: {  	v57 =	vshll.u32 v3, $0x3  }
0x39: {  	v3 =	vand.u32 $0x7, v3;
	v4 =	vand.u32 $0xFFFFFFC0, v57  }
0x3a: {  	v3 =	vor.u32 v3, v4  }
0x3b: {  	v4 =	vperm.xlane v3, v0;
	_ =	sdelay $0x1  }
0x3c: {  	v4 =	vadd.s32 v1, v4;
	_ =	sdelay $0x4  }
0x3d: {  	[tilespmem:s26], [sflag:$0x1] =	stream.indirect_vreg.gather [hbm4b:s3+s2], $0x80, v4, vm0, $0xb8;
	[tilespmem:$0x10400] =	vst v63  }
0x3e: {  	v3 =	vperm.xlane v3, v2  }
0x3f: {  	[tilespmem:s12], [sflag:$0x1] =	stream.indirect_vreg.gather [hbm4b:s4+s2], $0x80, v4, vm0, $0xb8;
	[tilespmem:$0x10400] =	vst v63  }
0x40: {  	v3 =	vadd.s32 v1, v3  }
0x41: {  	[tilespmem:s13], [sflag:$0x1] =	stream.indirect_vreg.gather [hbm4b:s5+s2], $0x80, v4, vm0, $0xb8;
	[tilespmem:$0x10400] =	vst v63  }
0x42: {  	_ = 	snop  }
0x43: {  	[tilespmem:s14], [sflag:$0x1] =	stream.indirect_vreg.gather [hbm4b:s6+s2], $0x80, v4, vm0, $0xb8;
	[tilespmem:$0x10400] =	vst v63  }
0x44: {  	_ = 	snop  }
0x45: {  	[tilespmem:s15], [sflag:$0x1] =	stream.indirect_vreg.gather [hbm4b:s3+s2], $0x80, v3, vm0, $0xb8;
	[tilespmem:$0x10400] =	vst v63  }
0x46: {  	_ = 	snop  }
0x47: {  	[tilespmem:s16], [sflag:$0x1] =	stream.indirect_vreg.gather [hbm4b:s4+s2], $0x80, v3, vm0, $0xb8;
	[tilespmem:$0x10400] =	vst v63  }
0x48: {  	_ = 	snop  }
0x49: {  	[tilespmem:s18], [sflag:$0x1] =	stream.indirect_vreg.gather [hbm4b:s5+s2], $0x80, v3, vm0, $0xb8;
	[tilespmem:$0x10400] =	vst v63  }
0x4a: {  	_ = 	snop  }
0x4b: {  	[tilespmem:s19], [sflag:$0x1] =	stream.indirect_vreg.gather [hbm4b:s6+s2], $0x80, v3, vm0, $0xb8;
	[tilespmem:$0x10400] =	vst v63  }
0x4c: {  	_ =	swait.ge [sflag:s25], $0x4000  }
0x4d: {  	[sflag:s25] =	ssyncset.done $0x0  }
0x4e: {  	[sflag:s25] =	ssyncadd.s32 $0xFFFFC000  }
0x4f: {  	_ =	swait.ge [sflag:s25], $0x4000  }
0x50: {  	[sflag:s25] =	ssyncset.done $0x0  }
0x51: {  	s24 =	rddreg [dreg:$0x5];
	[sflag:s25] =	ssyncadd.s32 $0xFFFFC000  }
0x52: {  	[hbm4b:s24+s2] =	stream.linear.scatter [tilespmem:s17], [sflag:$0x3], $0x4000, $0x38;
	[tilespmem:$0x10400] =	vst v63  }
0x53: {  	s0 =	rddreg [dreg:$0x6]  }
0x54: {  	[hbm4b:s0+s2] =	stream.linear.scatter [tilespmem:s26], [sflag:$0x3], $0x4000, $0x38;
	[tilespmem:$0x10400] =	vst v63  }
0x55: {  	v3 =	vld [tilespmem:$0x80];
	_ =	sdelay $0x4  }
0x56: {  	v58 =	vshll.u32 v3, $0x3  }
0x57: {  	v3 =	vand.u32 $0x7, v3;
	v4 =	vand.u32 $0xFFFFFFC0, v58  }
0x58: {  	v3 =	vor.u32 v3, v4  }
0x59: {  	v4 =	vperm.xlane v3, v0;
	_ =	sdelay $0x1  }
0x5a: {  	v4 =	vadd.s32 v1, v4;
	_ =	sdelay $0x4  }
0x5b: {  	[tilespmem:s11], [sflag:$0x2] =	stream.indirect_vreg.gather [hbm4b:s3+s2], $0x80, v4, vm0, $0xb8;
	[tilespmem:$0x10400] =	vst v63  }
0x5c: {  	v3 =	vperm.xlane v3, v2  }
0x5d: {  	[tilespmem:s9], [sflag:$0x2] =	stream.indirect_vreg.gather [hbm4b:s4+s2], $0x80, v4, vm0, $0xb8;
	[tilespmem:$0x10400] =	vst v63  }
0x5e: {  	s24 =	simm.s32 $0x5400;
	v3 =	vadd.s32 v1, v3  }
0x5f: {  	[tilespmem:s24], [sflag:$0x2] =	stream.indirect_vreg.gather [hbm4b:s5+s2], $0x80, v4, vm0, $0xb8;
	[tilespmem:$0x10400] =	vst v63  }
0x60: {  	s23 =	simm.s32 $0x5C00  }
0x61: {  	[tilespmem:s23], [sflag:$0x2] =	stream.indirect_vreg.gather [hbm4b:s6+s2], $0x80, v4, vm0, $0xb8;
	[tilespmem:$0x10400] =	vst v63  }
0x62: {  	s24 =	simm.s32 $0x6400  }
0x63: {  	[tilespmem:s24], [sflag:$0x2] =	stream.indirect_vreg.gather [hbm4b:s3+s2], $0x80, v3, vm0, $0xb8;
	[tilespmem:$0x10400] =	vst v63  }
0x64: {  	s23 =	simm.s32 $0x6C00  }
0x65: {  	[tilespmem:s23], [sflag:$0x2] =	stream.indirect_vreg.gather [hbm4b:s4+s2], $0x80, v3, vm0, $0xb8;
	[tilespmem:$0x10400] =	vst v63  }
0x66: {  	s24 =	simm.s32 $0x7400  }
0x67: {  	[tilespmem:s24], [sflag:$0x2] =	stream.indirect_vreg.gather [hbm4b:s5+s2], $0x80, v3, vm0, $0xb8;
	[tilespmem:$0x10400] =	vst v63  }
0x68: {  	s23 =	simm.s32 $0x7C00  }
0x69: {  	[tilespmem:s23], [sflag:$0x2] =	stream.indirect_vreg.gather [hbm4b:s6+s2], $0x80, v3, vm0, $0xb8;
	[tilespmem:$0x10400] =	vst v63  }
0x6a: {  	v3 =	vld [tilespmem:$0x280];
	_ =	sdelay $0x4  }
0x6b: {  	v59 =	vshll.u32 v3, $0x3  }
0x6c: {  	v3 =	vand.u32 $0x7, v3;
	v4 =	vand.u32 $0xFFFFFFC0, v59  }
0x6d: {  	v3 =	vor.u32 v3, v4  }
0x6e: {  	v4 =	vperm.xlane v3, v0;
	_ =	sdelay $0x1  }
0x6f: {  	v4 =	vadd.s32 v1, v4;
	_ =	sdelay $0x3  }
0x70: {  	s0 =	simm.s32 $0xC400  }
0x71: {  	[tilespmem:s0], [sflag:$0x2] =	stream.indirect_vreg.gather [hbm4b:s3+s2], $0x80, v4, vm0, $0xb8;
	[tilespmem:$0x10400] =	vst v63  }
0x72: {  	s24 =	simm.s32 $0xCC00;
	v3 =	vperm.xlane v3, v2  }
0x73: {  	[tilespmem:s24], [sflag:$0x2] =	stream.indirect_vreg.gather [hbm4b:s4+s2], $0x80, v4, vm0, $0xb8;
	[tilespmem:$0x10400] =	vst v63  }
0x74: {  	v3 =	vadd.s32 v1, v3;
	s24 =	simm.s32 $0xD400  }
0x75: {  	[tilespmem:s24], [sflag:$0x2] =	stream.indirect_vreg.gather [hbm4b:s5+s2], $0x80, v4, vm0, $0xb8;
	[tilespmem:$0x10400] =	vst v63  }
0x76: {  	s24 =	simm.s32 $0xDC00  }
0x77: {  	[tilespmem:s24], [sflag:$0x2] =	stream.indirect_vreg.gather [hbm4b:s6+s2], $0x80, v4, vm0, $0xb8;
	[tilespmem:$0x10400] =	vst v63  }
0x78: {  	s24 =	simm.s32 $0xE400  }
0x79: {  	[tilespmem:s24], [sflag:$0x2] =	stream.indirect_vreg.gather [hbm4b:s3+s2], $0x80, v3, vm0, $0xb8;
	[tilespmem:$0x10400] =	vst v63  }
0x7a: {  	s24 =	simm.s32 $0xEC00  }
0x7b: {  	[tilespmem:s24], [sflag:$0x2] =	stream.indirect_vreg.gather [hbm4b:s4+s2], $0x80, v3, vm0, $0xb8;
	[tilespmem:$0x10400] =	vst v63  }
0x7c: {  	s24 =	simm.s32 $0xF400  }
0x7d: {  	[tilespmem:s24], [sflag:$0x2] =	stream.indirect_vreg.gather [hbm4b:s5+s2], $0x80, v3, vm0, $0xb8;
	[tilespmem:$0x10400] =	vst v63  }
0x7e: {  	s24 =	simm.s32 $0xFC00  }
0x7f: {  	[tilespmem:s24], [sflag:$0x2] =	stream.indirect_vreg.gather [hbm4b:s6+s2], $0x80, v3, vm0, $0xb8;
	[tilespmem:$0x10400] =	vst v63  }
0x80: {  	_ =	swait.ge [sflag:s20], $0x4000  }
0x81: {  	[sflag:s20] =	ssyncset.done $0x0  }
0x82: {  	[sflag:s20] =	ssyncadd.s32 $0xFFFFC000  }
0x83: {  	_ =	swait.ge [sflag:s20], $0x4000  }
0x84: {  	[sflag:s20] =	ssyncset.done $0x0  }
0x85: {  	s23 =	rddreg [dreg:$0x7];
	[sflag:s20] =	ssyncadd.s32 $0xFFFFC000  }
0x86: {  	[hbm4b:s23+s2] =	stream.linear.scatter [tilespmem:s11], [sflag:$0x4], $0x4000, $0x38;
	[tilespmem:$0x10400] =	vst v63  }
0x87: {  	s24 =	rddreg [dreg:$0x8]  }
0x88: {  	[hbm4b:s24+s2] =	stream.linear.scatter [tilespmem:s0], [sflag:$0x4], $0x4000, $0x38;
	[tilespmem:$0x10400] =	vst v63  }
0x89: {  	_ =	swait.ge [sflag:s21], $0x4000  }
0x8a: {  	[sflag:s21] =	ssyncset.done $0x0  }
0x8b: {  	[sflag:s21] =	ssyncadd.s32 $0xFFFFC000  }
0x8c: {  	_ =	swait.ge [sflag:s21], $0x4000  }
0x8d: {  	[sflag:s21] =	ssyncset.done $0x0  }
0x8e: {  	[sflag:s21] =	ssyncadd.s32 $0xFFFFC000  }
0x8f: {  	v3 =	vld [tilespmem:$0x100];
	_ =	sdelay $0x4  }
0x90: {  	v60 =	vshll.u32 v3, $0x3  }
0x91: {  	v3 =	vand.u32 $0x7, v3;
	v4 =	vand.u32 $0xFFFFFFC0, v60  }
0x92: {  	v3 =	vor.u32 v3, v4  }
0x93: {  	v4 =	vperm.xlane v3, v0;
	_ =	sdelay $0x1  }
0x94: {  	v4 =	vadd.s32 v1, v4;
	_ =	sdelay $0x4  }
0x95: {  	[tilespmem:s17], [sflag:$0x1] =	stream.indirect_vreg.gather [hbm4b:s3+s2], $0x80, v4, vm0, $0xb8;
	[tilespmem:$0x10400] =	vst v63  }
0x96: {  	v3 =	vperm.xlane v3, v2  }
0x97: {  	[tilespmem:s28], [sflag:$0x1] =	stream.indirect_vreg.gather [hbm4b:s4+s2], $0x80, v4, vm0, $0xb8;
	[tilespmem:$0x10400] =	vst v63  }
0x98: {  	v3 =	vadd.s32 v1, v3  }
0x99: {  	[tilespmem:s29], [sflag:$0x1] =	stream.indirect_vreg.gather [hbm4b:s5+s2], $0x80, v4, vm0, $0xb8;
	[tilespmem:$0x10400] =	vst v63  }
0x9a: {  	_ = 	snop  }
0x9b: {  	[tilespmem:s30], [sflag:$0x1] =	stream.indirect_vreg.gather [hbm4b:s6+s2], $0x80, v4, vm0, $0xb8;
	[tilespmem:$0x10400] =	vst v63  }
0x9c: {  	_ = 	snop  }
0x9d: {  	[tilespmem:s31], [sflag:$0x1] =	stream.indirect_vreg.gather [hbm4b:s3+s2], $0x80, v3, vm0, $0xb8;
	[tilespmem:$0x10400] =	vst v63  }
0x9e: {  	_ = 	snop  }
0x9f: {  	[tilespmem:s8], [sflag:$0x1] =	stream.indirect_vreg.gather [hbm4b:s4+s2], $0x80, v3, vm0, $0xb8;
	[tilespmem:$0x10400] =	vst v63  }
0xa0: {  	_ = 	snop  }
0xa1: {  	[tilespmem:s1], [sflag:$0x1] =	stream.indirect_vreg.gather [hbm4b:s5+s2], $0x80, v3, vm0, $0xb8;
	[tilespmem:$0x10400] =	vst v63  }
0xa2: {  	_ = 	snop  }
0xa3: {  	[tilespmem:s10], [sflag:$0x1] =	stream.indirect_vreg.gather [hbm4b:s6+s2], $0x80, v3, vm0, $0xb8;
	[tilespmem:$0x10400] =	vst v63  }
0xa4: {  	v3 =	vld [tilespmem:$0x300];
	_ =	sdelay $0x4  }
0xa5: {  	v61 =	vshll.u32 v3, $0x3  }
0xa6: {  	v3 =	vand.u32 $0x7, v3;
	v4 =	vand.u32 $0xFFFFFFC0, v61  }
0xa7: {  	v3 =	vor.u32 v3, v4  }
0xa8: {  	v4 =	vperm.xlane v3, v0;
	_ =	sdelay $0x1  }
0xa9: {  	v4 =	vadd.s32 v1, v4;
	_ =	sdelay $0x4  }
0xaa: {  	[tilespmem:s26], [sflag:$0x1] =	stream.indirect_vreg.gather [hbm4b:s3+s2], $0x80, v4, vm0, $0xb8;
	[tilespmem:$0x10400] =	vst v63  }
0xab: {  	v3 =	vperm.xlane v3, v2  }
0xac: {  	[tilespmem:s12], [sflag:$0x1] =	stream.indirect_vreg.gather [hbm4b:s4+s2], $0x80, v4, vm0, $0xb8;
	[tilespmem:$0x10400] =	vst v63  }
0xad: {  	v3 =	vadd.s32 v1, v3  }
0xae: {  	[tilespmem:s13], [sflag:$0x1] =	stream.indirect_vreg.gather [hbm4b:s5+s2], $0x80, v4, vm0, $0xb8;
	[tilespmem:$0x10400] =	vst v63  }
0xaf: {  	_ = 	snop  }
0xb0: {  	[tilespmem:s14], [sflag:$0x1] =	stream.indirect_vreg.gather [hbm4b:s6+s2], $0x80, v4, vm0, $0xb8;
	[tilespmem:$0x10400] =	vst v63  }
0xb1: {  	_ = 	snop  }
0xb2: {  	[tilespmem:s15], [sflag:$0x1] =	stream.indirect_vreg.gather [hbm4b:s3+s2], $0x80, v3, vm0, $0xb8;
	[tilespmem:$0x10400] =	vst v63  }
0xb3: {  	_ = 	snop  }
0xb4: {  	[tilespmem:s16], [sflag:$0x1] =	stream.indirect_vreg.gather [hbm4b:s4+s2], $0x80, v3, vm0, $0xb8;
	[tilespmem:$0x10400] =	vst v63  }
0xb5: {  	_ = 	snop  }
0xb6: {  	[tilespmem:s18], [sflag:$0x1] =	stream.indirect_vreg.gather [hbm4b:s5+s2], $0x80, v3, vm0, $0xb8;
	[tilespmem:$0x10400] =	vst v63  }
0xb7: {  	_ = 	snop  }
0xb8: {  	[tilespmem:s19], [sflag:$0x1] =	stream.indirect_vreg.gather [hbm4b:s6+s2], $0x80, v3, vm0, $0xb8;
	[tilespmem:$0x10400] =	vst v63  }
0xb9: {  	_ =	swait.ge [sflag:s25], $0x4000  }
0xba: {  	[sflag:s25] =	ssyncset.done $0x0  }
0xbb: {  	[sflag:s25] =	ssyncadd.s32 $0xFFFFC000  }
0xbc: {  	_ =	swait.ge [sflag:s25], $0x4000  }
0xbd: {  	[sflag:s25] =	ssyncset.done $0x0  }
0xbe: {  	s24 =	rddreg [dreg:$0x9];
	[sflag:s25] =	ssyncadd.s32 $0xFFFFC000  }
0xbf: {  	[hbm4b:s24+s2] =	stream.linear.scatter [tilespmem:s17], [sflag:$0x3], $0x4000, $0x38;
	[tilespmem:$0x10400] =	vst v63  }
0xc0: {  	s1 =	rddreg [dreg:$0xa]  }
0xc1: {  	[hbm4b:s1+s2] =	stream.linear.scatter [tilespmem:s26], [sflag:$0x3], $0x4000, $0x38;
	[tilespmem:$0x10400] =	vst v63  }
0xc2: {  	_ =	swait.ge [sflag:s22], $0x4000  }
0xc3: {  	[sflag:s22] =	ssyncset.done $0x0  }
0xc4: {  	[sflag:s22] =	ssyncadd.s32 $0xFFFFC000  }
0xc5: {  	_ =	swait.ge [sflag:s22], $0x4000  }
0xc6: {  	[sflag:s22] =	ssyncset.done $0x0  }
0xc7: {  	[sflag:s22] =	ssyncadd.s32 $0xFFFFC000  }
0xc8: {  	v3 =	vld [tilespmem:$0x180];
	_ =	sdelay $0x4  }
0xc9: {  	v62 =	vshll.u32 v3, $0x3  }
0xca: {  	v3 =	vand.u32 $0x7, v3;
	v4 =	vand.u32 $0xFFFFFFC0, v62  }
0xcb: {  	v3 =	vor.u32 v3, v4  }
0xcc: {  	v4 =	vperm.xlane v3, v0;
	_ =	sdelay $0x1  }
0xcd: {  	v4 =	vadd.s32 v1, v4;
	_ =	sdelay $0x4  }
0xce: {  	[tilespmem:s11], [sflag:$0x2] =	stream.indirect_vreg.gather [hbm4b:s3+s2], $0x80, v4, vm0, $0xb8;
	[tilespmem:$0x10400] =	vst v63  }
0xcf: {  	v3 =	vperm.xlane v3, v2  }
0xd0: {  	[tilespmem:s9], [sflag:$0x2] =	stream.indirect_vreg.gather [hbm4b:s4+s2], $0x80, v4, vm0, $0xb8;
	[tilespmem:$0x10400] =	vst v63  }
0xd1: {  	s23 =	simm.s32 $0x5400;
	v3 =	vadd.s32 v1, v3  }
0xd2: {  	[tilespmem:s23], [sflag:$0x2] =	stream.indirect_vreg.gather [hbm4b:s5+s2], $0x80, v4, vm0, $0xb8;
	[tilespmem:$0x10400] =	vst v63  }
0xd3: {  	s24 =	simm.s32 $0x5C00  }
0xd4: {  	[tilespmem:s24], [sflag:$0x2] =	stream.indirect_vreg.gather [hbm4b:s6+s2], $0x80, v4, vm0, $0xb8;
	[tilespmem:$0x10400] =	vst v63  }
0xd5: {  	s23 =	simm.s32 $0x6400  }
0xd6: {  	[tilespmem:s23], [sflag:$0x2] =	stream.indirect_vreg.gather [hbm4b:s3+s2], $0x80, v3, vm0, $0xb8;
	[tilespmem:$0x10400] =	vst v63  }
0xd7: {  	s24 =	simm.s32 $0x6C00  }
0xd8: {  	[tilespmem:s24], [sflag:$0x2] =	stream.indirect_vreg.gather [hbm4b:s4+s2], $0x80, v3, vm0, $0xb8;
	[tilespmem:$0x10400] =	vst v63  }
0xd9: {  	s23 =	simm.s32 $0x7400  }
0xda: {  	[tilespmem:s23], [sflag:$0x2] =	stream.indirect_vreg.gather [hbm4b:s5+s2], $0x80, v3, vm0, $0xb8;
	[tilespmem:$0x10400] =	vst v63  }
0xdb: {  	s24 =	simm.s32 $0x7C00  }
0xdc: {  	[tilespmem:s24], [sflag:$0x2] =	stream.indirect_vreg.gather [hbm4b:s6+s2], $0x80, v3, vm0, $0xb8;
	[tilespmem:$0x10400] =	vst v63  }
0xdd: {  	v3 =	vld [tilespmem:$0x380];
	_ =	sdelay $0x4  }
0xde: {  	v63 =	vshll.u32 v3, $0x3  }
0xdf: {  	v3 =	vand.u32 $0x7, v3;
	v4 =	vand.u32 $0xFFFFFFC0, v63  }
0xe0: {  	v3 =	vor.u32 v3, v4  }
0xe1: {  	v4 =	vperm.xlane v3, v0;
	_ =	sdelay $0x1  }
0xe2: {  	v4 =	vadd.s32 v1, v4;
	_ =	sdelay $0x4  }
0xe3: {  	[tilespmem:s0], [sflag:$0x2] =	stream.indirect_vreg.gather [hbm4b:s3+s2], $0x80, v4, vm0, $0xb8;
	[tilespmem:$0x10400] =	vst v63  }
0xe4: {  	s23 =	simm.s32 $0xCC00;
	v3 =	vperm.xlane v3, v2  }
0xe5: {  	[tilespmem:s23], [sflag:$0x2] =	stream.indirect_vreg.gather [hbm4b:s4+s2], $0x80, v4, vm0, $0xb8;
	[tilespmem:$0x10400] =	vst v63  }
0xe6: {  	s24 =	simm.s32 $0xD400;
	v3 =	vadd.s32 v1, v3  }
0xe7: {  	[tilespmem:s24], [sflag:$0x2] =	stream.indirect_vreg.gather [hbm4b:s5+s2], $0x80, v4, vm0, $0xb8;
	[tilespmem:$0x10400] =	vst v63  }
0xe8: {  	s23 =	simm.s32 $0xDC00  }
0xe9: {  	[tilespmem:s23], [sflag:$0x2] =	stream.indirect_vreg.gather [hbm4b:s6+s2], $0x80, v4, vm0, $0xb8;
	[tilespmem:$0x10400] =	vst v63  }
0xea: {  	s24 =	simm.s32 $0xE400  }
0xeb: {  	[tilespmem:s24], [sflag:$0x2] =	stream.indirect_vreg.gather [hbm4b:s3+s2], $0x80, v3, vm0, $0xb8;
	[tilespmem:$0x10400] =	vst v63  }
0xec: {  	s23 =	simm.s32 $0xEC00  }
0xed: {  	[tilespmem:s23], [sflag:$0x2] =	stream.indirect_vreg.gather [hbm4b:s4+s2], $0x80, v3, vm0, $0xb8;
	[tilespmem:$0x10400] =	vst v63  }
0xee: {  	s24 =	simm.s32 $0xF400  }
0xef: {  	[tilespmem:s24], [sflag:$0x2] =	stream.indirect_vreg.gather [hbm4b:s5+s2], $0x80, v3, vm0, $0xb8;
	[tilespmem:$0x10400] =	vst v63  }
0xf0: {  	s23 =	simm.s32 $0xFC00  }
0xf1: {  	[tilespmem:s23], [sflag:$0x2] =	stream.indirect_vreg.gather [hbm4b:s6+s2], $0x80, v3, vm0, $0xb8;
	[tilespmem:$0x10400] =	vst v63  }
0xf2: {  	_ =	swait.ge [sflag:s20], $0x4000  }
0xf3: {  	[sflag:s20] =	ssyncset.done $0x0  }
0xf4: {  	[sflag:s20] =	ssyncadd.s32 $0xFFFFC000  }
0xf5: {  	_ =	swait.ge [sflag:s20], $0x4000  }
0xf6: {  	[sflag:s20] =	ssyncset.done $0x0  }
0xf7: {  	s24 =	rddreg [dreg:$0xb];
	[sflag:s20] =	ssyncadd.s32 $0xFFFFC000  }
0xf8: {  	[hbm4b:s24+s2] =	stream.linear.scatter [tilespmem:s11], [sflag:$0x4], $0x4000, $0x38;
	[tilespmem:$0x10400] =	vst v63  }
0xf9: {  	s1 =	rddreg [dreg:$0xc]  }
0xfa: {  	[hbm4b:s1+s2] =	stream.linear.scatter [tilespmem:s0], [sflag:$0x4], $0x4000, $0x38;
	[tilespmem:$0x10400] =	vst v63  }
0xfb: {  	_ =	swait.ge [sflag:s21], $0x4000  }
0xfc: {  	[sflag:s21] =	ssyncset.done $0x0  }
0xfd: {  	[sflag:s21] =	ssyncadd.s32 $0xFFFFC000  }
0xfe: {  	_ =	swait.ge [sflag:s21], $0x4000  }
0xff: {  	[sflag:s21] =	ssyncset.done $0x0  }
0x100: {  	[sflag:s21] =	ssyncadd.s32 $0xFFFFC000  }
0x101: {  	p0 =	sne.s32 s7, $0x1;
	_ =	swait.ge [sflag:s22], $0x4000  }
.Ltmp0:
0x102: {  	[sflag:s22] =	ssyncset.done $0x0;
	(pc) =	sbr.rel @p0 .LBB2_1-.Ltmp0, $4  }
0x103: {  	[sflag:s22] =	ssyncadd.s32 $0xFFFFC000  }
0x104: {  	_ =	swait.ge [sflag:s22], $0x4000  }
0x105: {  	[sflag:s22] =	ssyncset.done $0x0  }
0x106: {  	s7 =	sadd.s32 $0xFFFFFFFF, s7;
	[sflag:s22] =	ssyncadd.s32 $0xFFFFC000  }
0x107: {  	_ =	sfence.sel $0x180000  }
0x108: {  	[bflag:$0x0] =	sbarrier.arrive $0xFFFF  }
0x109: {  	_ =	strace $0x9000004A  }
0x10a: {  	s0 =	stileid.u32;
	[bflag:$0x2] =	sbarrier.arrive $0xFFFF  }
0x10b: {  	p0 =	sne.s32 s0, $0x0;
	s0 =	rddreg [dreg:$0x2]  }
0x10c: {  	s0 =	sadd.s32 @!p0 $0x100000, s0  }
0x10d: {  	[sflag:s0] =	ssyncadd.tile.s32 @!p0 $0x1;
	_ =	shalt  }
.Lfunc_end2:
_tile_overlayer_lowered:
.L_overlay_start_2:
0x10e: {  	(tag) =	ssettag $0x2  }
0x10f: {  	s0 =	rddreg [dreg:$0x0];
	s2 =	stileid.u32  }
0x110: {  	s1 =	rddreg [dreg:$0x1];
	p0 =	sne.s32 s2, $0x0  }
0x111: {  	s3 =	rddreg [dreg:$0x2];
	[bflag:$0x3] =	sbarrier.arrive $0xFFFF;
	s2 =	simm.s32 @!p0 $0x1C05  }
0x112: {  	[timem:s3], [sflag:s2] =	dma.local @!p0 [hbm:s0], s1  }
0x113: {  	s0 =	simm.s32 @!p0 $0x5  }
0x114: {  	_ =	swait.ge @!p0 [sflag:s0], s1  }
0x115: {  	s1 =	ssub.s32 @!p0 $0x0, s1;
	[sflag:s0] =	ssyncset.done @!p0 $0x0  }
0x116: {  	[sflag:s0] =	ssyncadd.s32 @!p0 s1  }
0x117: {  	[bflag:$0x3] =	sbarrier.arrive $0xFFFF  }
0x118: {  	_ =	shalt  }

// kernel: kernel.8.cloned.1.call-start
scs
__scs_entry_jumppad:
0x0: {  	(pc) =	sbr.rel $0x88, $3  }
0x1: {  	(tag) =	ssettag $0x0;
	lr =	simm.s32 $0x1  }
0x2: {  	[smem:$0x3F95] =	sst lr;
	_ =	strace $0xD0000000  }
0x3: {  	_ = 	snop  }
0x4: {  	_ = 	snop  }
0x5: {  	_ = 	snop  }
0x6: {  	_ = 	snop  }
0x7: {  	_ = 	snop  }
__scs_overlays_trampoline_lowered:
0x8: {  	[smem:$0x3FA4] =	sst s0  }
0x9: {  	[smem:$0x3FA5] =	sst s1  }
0xa: {  	[smem:$0x3FA6] =	sst s2  }
0xb: {  	[smem:$0x3FA7] =	sst s3  }
0xc: {  	[smem:$0x3FA8] =	sst s4  }
0xd: {  	[smem:$0x3FA9] =	sst s5  }
0xe: {  	[smem:$0x3FAA] =	sst s6  }
0xf: {  	[smem:$0x3FAB] =	sst s7  }
0x10: {  	[smem:$0x3FAC] =	sst s8  }
0x11: {  	[smem:$0x3FAD] =	sst s9;
	s0 =	simm.s32 @!p0 $0x0  }
0x12: {  	s1 =	sld [smem:$0x3F93];
	s0 =	simm.s32 @p0 $0x1  }
0x13: {  	[smem:$0x3FAE] =	sst s0;
	s0 =	simm.s32 @!p1 $0x0  }
0x14: {  	s2 =	sld [smem:$0x3F92];
	s0 =	simm.s32 @p1 $0x1  }
0x15: {  	[smem:$0x3FAF] =	sst s0;
	s0 =	simm.s32 @!p2 $0x0  }
0x16: {  	s3 =	sld [smem:$0x3FDB];
	s0 =	simm.s32 @p2 $0x1  }
0x17: {  	s4 =	simm.s32 $0x1BF5;
	[smem:$0x3FB1] =	sst s0  }
0x18: {  	s0 =	sld [smem:$0x3F94];
	_ =	swait.ge [sflag:s4], $0x0  }
0x19: {  	s7 =	sld [smem:$0x3F95]  }
0x1a: {  	s8 =	sadd.s32 $0xFFFFE003, lr  }
0x1b: {  	s9 =	sadd.s32 $0xFFFFFEF7, lr;
	s5 =	simm.s32 $0xFFFFFFFF;
	p2 =	slt.u32 s8, $0xFFFFF086  }
0x1c: {  	p1 =	slt.u32 s9, $0xF7A;
	s5 =	simm.s32 @!p2 $0x0  }
0x1d: {  	s5 =	simm.s32 @p1 $0x1;
	p0 =	seq.s32 s7, s2  }
0x1e: {  	s7 =	smul.u32 @!p0 $0xF7A, s2;
	p2 =	seq.s32 @!p0 s5, $0x0  }
0x1f: {  	s9 =	smul.u32 $0xF7A, s1;
	s8 =	simm.s32 @!p0 $0x1BF5;
	p2 =	por !p2, p0  }
0x20: {  	[sflag:s8] =	ssyncset.s32 @!p0 $0xFFFFF086;
	s6 =	sadd.s32 @!p0 s3, s7;
	s7 =	simm.s32 @!p0 $0x108  }
0x21: {  	s3 =	sadd.s32 s3, s9;
	s6 =	sadd.s32 @!p0 $0x88, s6;
	s7 =	simm.s32 @p2 $0x1082  }
0x22: {  	[simem:s7], [sflag:s8] =	dma.local @!p0 [hbm:s6], $0xF7A  }
0x23: {  	s9 =	sor.u32 $0xD0000000, s2;
	s6 =	simm.s32 $0x108;
	_ =	swait.ge @!p0 [sflag:s8], $0x0  }
0x24: {  	s3 =	sadd.s32 $0x88, s3;
	s6 =	simm.s32 @!p1 $0x1082;
	[sflag:s4] =	ssyncset.s32 $0xFFFFF086  }
0x25: {  	[simem:s6], [sflag:s4] =	dma.local [hbm:s3], $0xF7A  }
0x26: {  	[smem:$0x3F95] =	sst s1;
	(tag) =	ssettag s2;
	_ =	strace s9  }
0x27: {  	s1 =	sld [smem:$0x3FA5]  }
0x28: {  	s2 =	sld [smem:$0x3FA6]  }
0x29: {  	s4 =	sld [smem:$0x3FA8]  }
0x2a: {  	p0 =	seq.s32 s5, $0x0;
	s5 =	sld [smem:$0x3FA9]  }
0x2b: {  	s6 =	sld [smem:$0x3FAA]  }
0x2c: {  	s7 =	sld [smem:$0x3FAB]  }
0x2d: {  	s3 =	simm.s32 $0x108;
	s8 =	sld [smem:$0x3FAC]  }
0x2e: {  	s3 =	simm.s32 @!p0 $0x1082;
	s9 =	sld [smem:$0x3FAD]  }
0x2f: {  	lr =	sadd.s32 s0, s3;
	s0 =	sld [smem:$0x3FA4]  }
0x30: {  	s3 =	sld [smem:$0x3FA7]  }
0x31: {  	[smem:$0x3FB0] =	sst s10  }
0x32: {  	s10 =	sld [smem:$0x3FAE];
	_ =	sdelay $0x3  }
0x33: {  	p0 =	seq.s32 s10, $0x1;
	s10 =	sld [smem:$0x3FB0];
	_ =	sdelay $0x3  }
0x34: {  	[smem:$0x3FB0] =	sst s10  }
0x35: {  	s10 =	sld [smem:$0x3FAF];
	_ =	sdelay $0x3  }
0x36: {  	p1 =	seq.s32 s10, $0x1;
	s10 =	sld [smem:$0x3FB0];
	_ =	sdelay $0x3  }
0x37: {  	[smem:$0x3FB0] =	sst s10  }
0x38: {  	s10 =	sld [smem:$0x3FB1]  }
0x39: {  	_ = 	snop;
	(pc) =	sbr.ind lr, $3  }
0x3a: {  	_ = 	snop  }
0x3b: {  	_ = 	snop  }
0x3c: {  	p2 =	seq.s32 s10, $0x1;
	s10 =	sld [smem:$0x3FB0]  }
0x3d: {  	_ =	shalt  }
0x3e: {  	_ =	shalt  }
0x3f: {  	_ =	shalt  }
0x40: {  	_ =	shalt  }
0x41: {  	_ =	shalt  }
0x42: {  	_ =	shalt  }
0x43: {  	_ =	shalt  }
0x44: {  	_ =	shalt  }
0x45: {  	_ =	shalt  }
0x46: {  	_ =	shalt  }
0x47: {  	_ =	shalt  }
0x48: {  	_ =	shalt  }
0x49: {  	_ =	shalt  }
0x4a: {  	_ =	shalt  }
0x4b: {  	_ =	shalt  }
0x4c: {  	_ =	shalt  }
0x4d: {  	_ =	shalt  }
0x4e: {  	_ =	shalt  }
0x4f: {  	_ =	shalt  }
0x50: {  	_ =	shalt  }
0x51: {  	_ =	shalt  }
0x52: {  	_ =	shalt  }
0x53: {  	_ =	shalt  }
0x54: {  	_ =	shalt  }
0x55: {  	_ =	shalt  }
0x56: {  	_ =	shalt  }
0x57: {  	_ =	shalt  }
0x58: {  	_ =	shalt  }
0x59: {  	_ =	shalt  }
0x5a: {  	_ =	shalt  }
0x5b: {  	_ =	shalt  }
0x5c: {  	_ =	shalt  }
0x5d: {  	_ =	shalt  }
0x5e: {  	_ =	shalt  }
0x5f: {  	_ =	shalt  }
0x60: {  	_ =	shalt  }
0x61: {  	_ =	shalt  }
0x62: {  	_ =	shalt  }
0x63: {  	_ =	shalt  }
0x64: {  	_ =	shalt  }
0x65: {  	_ =	shalt  }
0x66: {  	_ =	shalt  }
0x67: {  	_ =	shalt  }
0x68: {  	_ =	shalt  }
0x69: {  	_ =	shalt  }
0x6a: {  	_ =	shalt  }
0x6b: {  	_ =	shalt  }
0x6c: {  	_ =	shalt  }
0x6d: {  	_ =	shalt  }
0x6e: {  	_ =	shalt  }
0x6f: {  	_ =	shalt  }
0x70: {  	_ =	shalt  }
0x71: {  	_ =	shalt  }
0x72: {  	_ =	shalt  }
0x73: {  	_ =	shalt  }
0x74: {  	_ =	shalt  }
0x75: {  	_ =	shalt  }
0x76: {  	_ =	shalt  }
0x77: {  	_ =	shalt  }
0x78: {  	_ =	shalt  }
0x79: {  	_ =	shalt  }
0x7a: {  	_ =	shalt  }
0x7b: {  	_ =	shalt  }
0x7c: {  	_ =	shalt  }
0x7d: {  	_ =	shalt  }
0x7e: {  	_ =	shalt  }
0x7f: {  	_ =	shalt  }
0x80: {  	_ =	shalt  }
0x81: {  	_ =	shalt  }
0x82: {  	_ =	shalt  }
0x83: {  	_ =	shalt  }
0x84: {  	_ =	shalt  }
0x85: {  	_ =	shalt  }
0x86: {  	_ =	shalt  }
0x87: {  	_ =	shalt  }
.Lfunc_end0:
.L_simem_size_0:
called_computation_lowered:
.L_overlay_start_0:
0x88: {  	s2 =	sld [smem:$0x3FD9]  }
0x89: {  	s3 =	sld [smem:$0x3FFE];
	_ =	sdelay $0x1  }
0x8a: {  	s1 =	srdreg.scid  }
0x8b: {  	s0 =	sand.u32 $0x1, s1  }
0x8c: {  	s17 =	sshll.u32 s0, $0xA;
	s2 =	sadd.s32 s3, s2  }
0x8d: {  	s2 =	sadd.s32 s2, s17  }
0x8e: {  	[smem:$0x3FBC] =	sst s2  }
0x8f: {  	_ = 	snop  }
0x90: {  	s2 =	sld [smem:$0x3FD0];
	(tm) =	ssettm $0x1  }
0x91: {  	s18 =	sld [smem:$0x3FFB];
	_ =	sdelay $0x3  }
0x92: {  	_ =	strace s18  }
0x93: {  	s3 =	sld [smem:$0x3FFC];
	_ =	sdelay $0x3  }
0x94: {  	_ =	strace s3  }
0x95: {  	s3 =	sld [smem:$0x3FFD];
	_ =	sdelay $0x3  }
0x96: {  	_ =	strace s3  }
0x97: {  	_ =	strace $0x8FFFFFFF  }
0x98: {  	s19 =	sld [smem:$0x3FDB];
	_ =	sdelay $0x1  }
0x99: {  	s4 =	simm.s32 $_scs_section_size  }
0x9a: {  	s5 =	simm.s32 $_size__tile_overlayer_lowered;
	s6 =	simm.s32 $_tile_overlayer_lowered  }
0x9b: {  	s22 =	simm.s32 $0x1BFF;
	s21 =	sshll.u32 s6, $0x1;
	s3 =	sadd.s32 s4, s19  }
0x9c: {  	s7 =	simm.s32 $0x0;
	s20 =	sshll.u32 s5, $0x1;
	s5 =	sadd.s32 s21, s3  }
0x9d: {  	[timem:s7], [sflag:s22] =	dma.local [hbm:s5], s20  }
0x9e: {  	_ =	swait.ge [sflag:s22], s20  }
0x9f: {  	s4 =	ssub.s32 $0x0, s20;
	[sflag:s22] =	ssyncset.done $0x0  }
0xa0: {  	[sflag:s22] =	ssyncadd.s32 s4;
	_ =	sdelay $0x1  }
0xa1: {  	s23 =	simm.s32 $0x1B8B  }
0xa2: {  	_ =	swait.ge [sflag:s23], $0x1  }
0xa3: {  	[sflag:s23] =	ssyncset.done $0x0  }
0xa4: {  	s25 =	simm.s32 $0x1B8E;
	s24 =	sld [smem:$0x3FFE];
	[sflag:s23] =	ssyncadd.s32 $0xFFFFFFFF  }
0xa5: {  	s26 =	simm.s32 $execute0_lowered;
	[smem:$0x3FD2] =	sst s25  }
0xa6: {  	s5 =	sshll.u32 s26, $0x1;
	_ =	strace $0x80000046;
	[dreg:$0x1] =	wrdreg $0xFFFFFFFF  }
0xa7: {  	s28 =	simm.s32 $_size_execute0_lowered;
	s3 =	sadd.s32 s3, s5;
	[dreg:$0x0] =	wrdreg $0x0  }
0xa8: {  	s5 =	sshll.u32 s28, $0x1;
	[dreg:$0x2] =	wrdreg s3  }
0xa9: {  	[dreg:$0x3] =	wrdreg s5  }
0xaa: {  	[dreg:$0x4] =	wrdreg $0xC0  }
0xab: {  	_ =	task [dreg:s7], $0x5FFFF  }
0xac: {  	[dreg:$0x1] =	wrdreg $0xFFFFFFFF  }
0xad: {  	[dreg:$0x0] =	wrdreg $0x60  }
0xae: {  	[dreg:$0x2] =	wrdreg s2  }
0xaf: {  	[dreg:$0x3] =	wrdreg s24  }
0xb0: {  	[dreg:$0x4] =	wrdreg $0x9  }
0xb1: {  	_ =	task.clear_ibuf [dreg:s7], $0x5FFFF;
	_ =	strace $0x90000046  }
0xb2: {  	s29 =	simm.s32 $0x9;
	_ =	strace $0x80000048  }
0xb3: {  	_ =	swait.ge [sflag:s29], $0x1  }
0xb4: {  	[sflag:s29] =	ssyncadd.s32 $0xFFFFFFFF  }
0xb5: {  	_ =	strace $0x90000048  }
0xb6: {  	_ =	sfence  }
0xb7: {  	s30 =	sld [smem:$0x0];
	_ =	sdelay $0x2  }
0xb8: {  	s31 =	sshll.u32 s1, $0xD;
	s1 =	sshrl.u32 s1, $0x2  }
0xb9: {  	s3 =	sand.u32 $0x4000, s31;
	s1 =	sadd.s32 s1, s30  }
0xba: {  	s0 =	sor.u32 s3, s0;
	s1 =	sshll.u32 s1, $0x11  }
0xbb: {  	s0 =	sor.u32 s1, s0  }
0xbc: {  	s0 =	sadd.s32 $0x8F2B, s0  }
0xbd: {  	[sflag:s0] =	ssyncadd.remote.s32 $0x1  }
0xbe: {  	_ =	sfence.sel $0xFFFF  }
0xbf: {  	[dreg:$0x0] =	wrdreg $0xFFFFFFFF;
	(pc) =	sbr.abs _section_cstart, $3  }
0xc0: {  	[dreg:$0x1] =	wrdreg $0xFFFFFFFF  }
0xc1: {  	_ =	task.clear_ibuf [dreg:s7], $0x2FFFF;
	_ =	strace $0x9FFFFFFF  }
0xc2: {  	(tm) =	ssettm $0x7FFFFFFF  }
0xc3: {  	_ =	shalt  }
tec
execute0_lowered:
.L_overlay_start_1:
0x0: {  	(tag) =	ssettag $0x1  }
0x1: {  	s0 =	rddreg [dreg:$0x0]  }
0x2: {  	s2 =	rddreg [dreg:$0x1]  }
0x3: {  	s3 =	srdreg.scid;
	s1 =	simm.s32 $0x0;
	s8 =	stileid.u32  }
0x4: {  	s22 =	simm.s32 $0x3;
	s23 =	simm.s32 $0x4;
	s28 =	simm.s32 $0x200  }
0x5: {  	s29 =	simm.s32 $0x1;
	s30 =	simm.s32 $0x1A00;
	s31 =	simm.s32 $0x2200  }
0x6: {  	s12 =	simm.s32 $0x3A00;
	s13 =	simm.s32 $0x4200;
	s14 =	simm.s32 $0x4A00  }
0x7: {  	s15 =	simm.s32 $0x5200;
	s16 =	simm.s32 $0x5A00;
	s17 =	simm.s32 $0x6200  }
0x8: {  	s18 =	simm.s32 $0x6A00;
	s19 =	simm.s32 $0x7200;
	s20 =	simm.s32 $0x7A00  }
0x9: {  	s11 =	simm.s32 $0x8200;
	s21 =	simm.s32 $0x8A00;
	s10 =	simm.s32 $0xA200  }
0xa: {  	s4 =	sand.u32 $0x1, s3;
	[smem:$0x7FF] =	sst s1;
	s7 =	sshll.u32 s8, $0xF  }
0xb: {  	s8 =	sshll.u32 s8, $0x7;
	s3 =	sshll.u32 s4, $0x6;
	_ =	strace $0x80000047  }
0xc: {  	s6 =	ssub.s32 $0x2, s4;
	s4 =	sshll.u32 s4, $0xE;
	s7 =	sand.u32 $0x38000, s7  }
0xd: {  	s5 =	sadd.s32 s3, s2;
	s3 =	sadd.s32 $0xBC00, s2;
	s4 =	sor.u32 s4, s7  }
0xe: {  	s9 =	sshrl.u32 s6, $0x1;
	s5 =	sadd.s32 s8, s5;
	s4 =	sadd.s32 s0, s4  }
0xf: {  	s7 =	sadd.s32 $0xBF00, s2;
	s5 =	sadd.s32 $0xB400, s5;
	[dreg:$0x7] =	wrdreg s4  }
0x10: {  	s24 =	ssub.s32 s6, s9;
	s0 =	sadd.s32 $0x1000, s4;
	[dreg:$0x3] =	wrdreg s5  }
0x11: {  	s6 =	sadd.s32 $0xBE00, s2;
	s25 =	sadd.s32 $0x2000, s4;
	[dreg:$0x4] =	wrdreg s0  }
0x12: {  	v2 =	vlaneseq.u32;
	s26 =	sadd.s32 $0x3000, s4;
	s8 =	smax.u32 s24, $0x1;
	[dreg:$0x5] =	wrdreg s25  }
0x13: {  	vm0 =	vmmov $0xffff;
	v1 =	vshrl.u32 v2, $0x3;
	s4 =	simm.s32 $0x2A00;
	s5 =	sadd.s32 $0xBD00, s2;
	[dreg:$0x6] =	wrdreg s26  }
0x14: {  	v0 =	vand.u32 $0x7, v2;
	v2 =	vor.u32 $0x8, v2;
	v1 =	vmul.u32 $0x8, v1;
	s25 =	simm.s32 $0xA00;
	s26 =	simm.s32 $0x1200;
	s2 =	simm.s32 $0x3200  }
.LBB2_1:
0x15: {  	s24 =	rddreg [dreg:$0x3];
	s0 =	simm.s32 $0x5  }
0x16: {  	[tilespmem:s1], [sflag:$0x5] =	stream.linear.gather [hbm4b:s24+s1], $0x200, $0x38;
	[tilespmem:$0x10200] =	vst v63  }
0x17: {  	_ =	swait.ge [sflag:s0], $0x200  }
0x18: {  	[sflag:s0] =	ssyncset.done $0x0  }
0x19: {  	[sflag:s0] =	ssyncadd.s32 $0xFFFFFE00;
	s0 =	rddreg [dreg:$0x7]  }
0x1a: {  	[tilespmem:s28], [sflag:$0x1] =	stream.linear.gather [hbm4b:s0+s1], $0x8000, $0x38;
	[tilespmem:$0x10200] =	vst v63  }
0x1b: {  	_ =	swait.ge [sflag:s29], $0x8000  }
0x1c: {  	[sflag:s29] =	ssyncset.done $0x0  }
0x1d: {  	[sflag:s29] =	ssyncadd.s32 $0xFFFF8000  }
0x1e: {  	v3 =	vld [tilespmem:$0x0];
	_ =	sdelay $0x4  }
0x1f: {  	v4 =	vshll.u32 v3, $0x3  }
0x20: {  	v3 =	vand.u32 $0x7, v3;
	v4 =	vand.u32 $0xFFFFFFC0, v4  }
0x21: {  	v3 =	vor.u32 v3, v4  }
0x22: {  	v4 =	vperm.xlane v3, v0;
	_ =	sdelay $0x1  }
0x23: {  	v4 =	vadd.s32 v1, v4;
	_ =	sdelay $0x4  }
0x24: {  	[hbm4b:s3+s1] =	stream.indirect_vreg.scatter [tilespmem:s28], [sflag:$0x3], $0x80, v4, vm0, $0xb8;
	[tilespmem:$0x10200] =	vst v63  }
0x25: {  	v3 =	vperm.xlane v3, v2  }
0x26: {  	[hbm4b:s5+s1] =	stream.indirect_vreg.scatter [tilespmem:s25], [sflag:$0x3], $0x80, v4, vm0, $0xb8;
	[tilespmem:$0x10200] =	vst v63  }
0x27: {  	v3 =	vadd.s32 v1, v3  }
0x28: {  	[hbm4b:s6+s1] =	stream.indirect_vreg.scatter [tilespmem:s26], [sflag:$0x3], $0x80, v4, vm0, $0xb8;
	[tilespmem:$0x10200] =	vst v63  }
0x29: {  	_ = 	snop  }
0x2a: {  	[hbm4b:s7+s1] =	stream.indirect_vreg.scatter [tilespmem:s30], [sflag:$0x3], $0x80, v4, vm0, $0xb8;
	[tilespmem:$0x10200] =	vst v63  }
0x2b: {  	_ = 	snop  }
0x2c: {  	[hbm4b:s3+s1] =	stream.indirect_vreg.scatter [tilespmem:s31], [sflag:$0x3], $0x80, v3, vm0, $0xb8;
	[tilespmem:$0x10200] =	vst v63  }
0x2d: {  	_ = 	snop  }
0x2e: {  	[hbm4b:s5+s1] =	stream.indirect_vreg.scatter [tilespmem:s4], [sflag:$0x3], $0x80, v3, vm0, $0xb8;
	[tilespmem:$0x10200] =	vst v63  }
0x2f: {  	_ = 	snop  }
0x30: {  	[hbm4b:s6+s1] =	stream.indirect_vreg.scatter [tilespmem:s2], [sflag:$0x3], $0x80, v3, vm0, $0xb8;
	[tilespmem:$0x10200] =	vst v63  }
0x31: {  	_ = 	snop  }
0x32: {  	[hbm4b:s7+s1] =	stream.indirect_vreg.scatter [tilespmem:s12], [sflag:$0x3], $0x80, v3, vm0, $0xb8;
	[tilespmem:$0x10200] =	vst v63  }
0x33: {  	v3 =	vld [tilespmem:$0x10];
	_ =	sdelay $0x4  }
0x34: {  	v57 =	vshll.u32 v3, $0x3  }
0x35: {  	v3 =	vand.u32 $0x7, v3;
	v4 =	vand.u32 $0xFFFFFFC0, v57  }
0x36: {  	v3 =	vor.u32 v3, v4  }
0x37: {  	v4 =	vperm.xlane v3, v0;
	_ =	sdelay $0x1  }
0x38: {  	v4 =	vadd.s32 v1, v4;
	_ =	sdelay $0x4  }
0x39: {  	[hbm4b:s3+s1] =	stream.indirect_vreg.scatter [tilespmem:s13], [sflag:$0x3], $0x80, v4, vm0, $0xb8;
	[tilespmem:$0x10200] =	vst v63  }
0x3a: {  	v3 =	vperm.xlane v3, v2  }
0x3b: {  	[hbm4b:s5+s1] =	stream.indirect_vreg.scatter [tilespmem:s14], [sflag:$0x3], $0x80, v4, vm0, $0xb8;
	[tilespmem:$0x10200] =	vst v63  }
0x3c: {  	v3 =	vadd.s32 v1, v3  }
0x3d: {  	[hbm4b:s6+s1] =	stream.indirect_vreg.scatter [tilespmem:s15], [sflag:$0x3], $0x80, v4, vm0, $0xb8;
	[tilespmem:$0x10200] =	vst v63  }
0x3e: {  	_ = 	snop  }
0x3f: {  	[hbm4b:s7+s1] =	stream.indirect_vreg.scatter [tilespmem:s16], [sflag:$0x3], $0x80, v4, vm0, $0xb8;
	[tilespmem:$0x10200] =	vst v63  }
0x40: {  	_ = 	snop  }
0x41: {  	[hbm4b:s3+s1] =	stream.indirect_vreg.scatter [tilespmem:s17], [sflag:$0x3], $0x80, v3, vm0, $0xb8;
	[tilespmem:$0x10200] =	vst v63  }
0x42: {  	_ = 	snop  }
0x43: {  	[hbm4b:s5+s1] =	stream.indirect_vreg.scatter [tilespmem:s18], [sflag:$0x3], $0x80, v3, vm0, $0xb8;
	[tilespmem:$0x10200] =	vst v63  }
0x44: {  	_ = 	snop  }
0x45: {  	[hbm4b:s6+s1] =	stream.indirect_vreg.scatter [tilespmem:s19], [sflag:$0x3], $0x80, v3, vm0, $0xb8;
	[tilespmem:$0x10200] =	vst v63  }
0x46: {  	_ = 	snop  }
0x47: {  	[hbm4b:s7+s1] =	stream.indirect_vreg.scatter [tilespmem:s20], [sflag:$0x3], $0x80, v3, vm0, $0xb8;
	[tilespmem:$0x10200] =	vst v63  }
0x48: {  	s0 =	simm.s32 $0x2;
	s9 =	rddreg [dreg:$0x4]  }
0x49: {  	[tilespmem:s11], [sflag:$0x2] =	stream.linear.gather [hbm4b:s9+s1], $0x8000, $0x38;
	[tilespmem:$0x10200] =	vst v63  }
0x4a: {  	_ =	swait.ge [sflag:s0], $0x8000  }
0x4b: {  	[sflag:s0] =	ssyncset.done $0x0  }
0x4c: {  	[sflag:s0] =	ssyncadd.s32 $0xFFFF8000  }
0x4d: {  	v3 =	vld [tilespmem:$0x80];
	_ =	sdelay $0x4  }
0x4e: {  	v58 =	vshll.u32 v3, $0x3  }
0x4f: {  	v3 =	vand.u32 $0x7, v3;
	v4 =	vand.u32 $0xFFFFFFC0, v58  }
0x50: {  	v3 =	vor.u32 v3, v4  }
0x51: {  	v4 =	vperm.xlane v3, v0;
	_ =	sdelay $0x1  }
0x52: {  	v4 =	vadd.s32 v1, v4;
	_ =	sdelay $0x4  }
0x53: {  	[hbm4b:s3+s1] =	stream.indirect_vreg.scatter [tilespmem:s11], [sflag:$0x4], $0x80, v4, vm0, $0xb8;
	[tilespmem:$0x10200] =	vst v63  }
0x54: {  	v3 =	vperm.xlane v3, v2  }
0x55: {  	[hbm4b:s5+s1] =	stream.indirect_vreg.scatter [tilespmem:s21], [sflag:$0x4], $0x80, v4, vm0, $0xb8;
	[tilespmem:$0x10200] =	vst v63  }
0x56: {  	s9 =	simm.s32 $0x9200;
	v3 =	vadd.s32 v1, v3  }
0x57: {  	[hbm4b:s6+s1] =	stream.indirect_vreg.scatter [tilespmem:s9], [sflag:$0x4], $0x80, v4, vm0, $0xb8;
	[tilespmem:$0x10200] =	vst v63  }
0x58: {  	s9 =	simm.s32 $0x9A00  }
0x59: {  	[hbm4b:s7+s1] =	stream.indirect_vreg.scatter [tilespmem:s9], [sflag:$0x4], $0x80, v4, vm0, $0xb8;
	[tilespmem:$0x10200] =	vst v63  }
0x5a: {  	_ = 	snop  }
0x5b: {  	[hbm4b:s3+s1] =	stream.indirect_vreg.scatter [tilespmem:s10], [sflag:$0x4], $0x80, v3, vm0, $0xb8;
	[tilespmem:$0x10200] =	vst v63  }
0x5c: {  	s24 =	simm.s32 $0xAA00  }
0x5d: {  	[hbm4b:s5+s1] =	stream.indirect_vreg.scatter [tilespmem:s24], [sflag:$0x4], $0x80, v3, vm0, $0xb8;
	[tilespmem:$0x10200] =	vst v63  }
0x5e: {  	s24 =	simm.s32 $0xB200  }
0x5f: {  	[hbm4b:s6+s1] =	stream.indirect_vreg.scatter [tilespmem:s24], [sflag:$0x4], $0x80, v3, vm0, $0xb8;
	[tilespmem:$0x10200] =	vst v63  }
0x60: {  	s24 =	simm.s32 $0xBA00  }
0x61: {  	[hbm4b:s7+s1] =	stream.indirect_vreg.scatter [tilespmem:s24], [sflag:$0x4], $0x80, v3, vm0, $0xb8;
	[tilespmem:$0x10200] =	vst v63  }
0x62: {  	v3 =	vld [tilespmem:$0x90];
	_ =	sdelay $0x4  }
0x63: {  	v59 =	vshll.u32 v3, $0x3  }
0x64: {  	v3 =	vand.u32 $0x7, v3;
	v4 =	vand.u32 $0xFFFFFFC0, v59  }
0x65: {  	v3 =	vor.u32 v3, v4  }
0x66: {  	v4 =	vperm.xlane v3, v0;
	_ =	sdelay $0x1  }
0x67: {  	v4 =	vadd.s32 v1, v4;
	_ =	sdelay $0x3  }
0x68: {  	s24 =	simm.s32 $0xC200  }
0x69: {  	[hbm4b:s3+s1] =	stream.indirect_vreg.scatter [tilespmem:s24], [sflag:$0x4], $0x80, v4, vm0, $0xb8;
	[tilespmem:$0x10200] =	vst v63  }
0x6a: {  	v3 =	vperm.xlane v3, v2;
	s24 =	simm.s32 $0xCA00  }
0x6b: {  	[hbm4b:s5+s1] =	stream.indirect_vreg.scatter [tilespmem:s24], [sflag:$0x4], $0x80, v4, vm0, $0xb8;
	[tilespmem:$0x10200] =	vst v63  }
0x6c: {  	v3 =	vadd.s32 v1, v3;
	s24 =	simm.s32 $0xD200  }
0x6d: {  	[hbm4b:s6+s1] =	stream.indirect_vreg.scatter [tilespmem:s24], [sflag:$0x4], $0x80, v4, vm0, $0xb8;
	[tilespmem:$0x10200] =	vst v63  }
0x6e: {  	s24 =	simm.s32 $0xDA00  }
0x6f: {  	[hbm4b:s7+s1] =	stream.indirect_vreg.scatter [tilespmem:s24], [sflag:$0x4], $0x80, v4, vm0, $0xb8;
	[tilespmem:$0x10200] =	vst v63  }
0x70: {  	s24 =	simm.s32 $0xE200  }
0x71: {  	[hbm4b:s3+s1] =	stream.indirect_vreg.scatter [tilespmem:s24], [sflag:$0x4], $0x80, v3, vm0, $0xb8;
	[tilespmem:$0x10200] =	vst v63  }
0x72: {  	s24 =	simm.s32 $0xEA00  }
0x73: {  	[hbm4b:s5+s1] =	stream.indirect_vreg.scatter [tilespmem:s24], [sflag:$0x4], $0x80, v3, vm0, $0xb8;
	[tilespmem:$0x10200] =	vst v63  }
0x74: {  	s24 =	simm.s32 $0xF200  }
0x75: {  	[hbm4b:s6+s1] =	stream.indirect_vreg.scatter [tilespmem:s24], [sflag:$0x4], $0x80, v3, vm0, $0xb8;
	[tilespmem:$0x10200] =	vst v63  }
0x76: {  	s24 =	simm.s32 $0xFA00  }
0x77: {  	[hbm4b:s7+s1] =	stream.indirect_vreg.scatter [tilespmem:s24], [sflag:$0x4], $0x80, v3, vm0, $0xb8;
	[tilespmem:$0x10200] =	vst v63  }
0x78: {  	_ =	swait.ge [sflag:s22], $0x8000  }
0x79: {  	[sflag:s22] =	ssyncset.done $0x0  }
0x7a: {  	s24 =	rddreg [dreg:$0x5];
	[sflag:s22] =	ssyncadd.s32 $0xFFFF8000  }
0x7b: {  	[tilespmem:s28], [sflag:$0x1] =	stream.linear.gather [hbm4b:s24+s1], $0x8000, $0x38;
	[tilespmem:$0x10200] =	vst v63  }
0x7c: {  	_ =	swait.ge [sflag:s29], $0x8000  }
0x7d: {  	[sflag:s29] =	ssyncset.done $0x0  }
0x7e: {  	[sflag:s29] =	ssyncadd.s32 $0xFFFF8000  }
0x7f: {  	v3 =	vld [tilespmem:$0x100];
	_ =	sdelay $0x4  }
0x80: {  	v60 =	vshll.u32 v3, $0x3  }
0x81: {  	v3 =	vand.u32 $0x7, v3;
	v4 =	vand.u32 $0xFFFFFFC0, v60  }
0x82: {  	v3 =	vor.u32 v3, v4  }
0x83: {  	v4 =	vperm.xlane v3, v0;
	_ =	sdelay $0x1  }
0x84: {  	v4 =	vadd.s32 v1, v4;
	_ =	sdelay $0x4  }
0x85: {  	[hbm4b:s3+s1] =	stream.indirect_vreg.scatter [tilespmem:s28], [sflag:$0x3], $0x80, v4, vm0, $0xb8;
	[tilespmem:$0x10200] =	vst v63  }
0x86: {  	v3 =	vperm.xlane v3, v2  }
0x87: {  	[hbm4b:s5+s1] =	stream.indirect_vreg.scatter [tilespmem:s25], [sflag:$0x3], $0x80, v4, vm0, $0xb8;
	[tilespmem:$0x10200] =	vst v63  }
0x88: {  	v3 =	vadd.s32 v1, v3  }
0x89: {  	[hbm4b:s6+s1] =	stream.indirect_vreg.scatter [tilespmem:s26], [sflag:$0x3], $0x80, v4, vm0, $0xb8;
	[tilespmem:$0x10200] =	vst v63  }
0x8a: {  	_ = 	snop  }
0x8b: {  	[hbm4b:s7+s1] =	stream.indirect_vreg.scatter [tilespmem:s30], [sflag:$0x3], $0x80, v4, vm0, $0xb8;
	[tilespmem:$0x10200] =	vst v63  }
0x8c: {  	_ = 	snop  }
0x8d: {  	[hbm4b:s3+s1] =	stream.indirect_vreg.scatter [tilespmem:s31], [sflag:$0x3], $0x80, v3, vm0, $0xb8;
	[tilespmem:$0x10200] =	vst v63  }
0x8e: {  	_ = 	snop  }
0x8f: {  	[hbm4b:s5+s1] =	stream.indirect_vreg.scatter [tilespmem:s4], [sflag:$0x3], $0x80, v3, vm0, $0xb8;
	[tilespmem:$0x10200] =	vst v63  }
0x90: {  	_ = 	snop  }
0x91: {  	[hbm4b:s6+s1] =	stream.indirect_vreg.scatter [tilespmem:s2], [sflag:$0x3], $0x80, v3, vm0, $0xb8;
	[tilespmem:$0x10200] =	vst v63  }
0x92: {  	_ = 	snop  }
0x93: {  	[hbm4b:s7+s1] =	stream.indirect_vreg.scatter [tilespmem:s12], [sflag:$0x3], $0x80, v3, vm0, $0xb8;
	[tilespmem:$0x10200] =	vst v63  }
0x94: {  	v3 =	vld [tilespmem:$0x110];
	_ =	sdelay $0x4  }
0x95: {  	v61 =	vshll.u32 v3, $0x3  }
0x96: {  	v3 =	vand.u32 $0x7, v3;
	v4 =	vand.u32 $0xFFFFFFC0, v61  }
0x97: {  	v3 =	vor.u32 v3, v4  }
0x98: {  	v4 =	vperm.xlane v3, v0;
	_ =	sdelay $0x1  }
0x99: {  	v4 =	vadd.s32 v1, v4;
	_ =	sdelay $0x4  }
0x9a: {  	[hbm4b:s3+s1] =	stream.indirect_vreg.scatter [tilespmem:s13], [sflag:$0x3], $0x80, v4, vm0, $0xb8;
	[tilespmem:$0x10200] =	vst v63  }
0x9b: {  	v3 =	vperm.xlane v3, v2  }
0x9c: {  	[hbm4b:s5+s1] =	stream.indirect_vreg.scatter [tilespmem:s14], [sflag:$0x3], $0x80, v4, vm0, $0xb8;
	[tilespmem:$0x10200] =	vst v63  }
0x9d: {  	v3 =	vadd.s32 v1, v3  }
0x9e: {  	[hbm4b:s6+s1] =	stream.indirect_vreg.scatter [tilespmem:s15], [sflag:$0x3], $0x80, v4, vm0, $0xb8;
	[tilespmem:$0x10200] =	vst v63  }
0x9f: {  	_ = 	snop  }
0xa0: {  	[hbm4b:s7+s1] =	stream.indirect_vreg.scatter [tilespmem:s16], [sflag:$0x3], $0x80, v4, vm0, $0xb8;
	[tilespmem:$0x10200] =	vst v63  }
0xa1: {  	_ = 	snop  }
0xa2: {  	[hbm4b:s3+s1] =	stream.indirect_vreg.scatter [tilespmem:s17], [sflag:$0x3], $0x80, v3, vm0, $0xb8;
	[tilespmem:$0x10200] =	vst v63  }
0xa3: {  	_ = 	snop  }
0xa4: {  	[hbm4b:s5+s1] =	stream.indirect_vreg.scatter [tilespmem:s18], [sflag:$0x3], $0x80, v3, vm0, $0xb8;
	[tilespmem:$0x10200] =	vst v63  }
0xa5: {  	_ = 	snop  }
0xa6: {  	[hbm4b:s6+s1] =	stream.indirect_vreg.scatter [tilespmem:s19], [sflag:$0x3], $0x80, v3, vm0, $0xb8;
	[tilespmem:$0x10200] =	vst v63  }
0xa7: {  	_ = 	snop  }
0xa8: {  	[hbm4b:s7+s1] =	stream.indirect_vreg.scatter [tilespmem:s20], [sflag:$0x3], $0x80, v3, vm0, $0xb8;
	[tilespmem:$0x10200] =	vst v63  }
0xa9: {  	_ =	swait.ge [sflag:s23], $0x8000  }
0xaa: {  	[sflag:s23] =	ssyncset.done $0x0  }
0xab: {  	s24 =	rddreg [dreg:$0x6];
	[sflag:s23] =	ssyncadd.s32 $0xFFFF8000  }
0xac: {  	[tilespmem:s11], [sflag:$0x2] =	stream.linear.gather [hbm4b:s24+s1], $0x8000, $0x38;
	[tilespmem:$0x10200] =	vst v63  }
0xad: {  	_ =	swait.ge [sflag:s0], $0x8000  }
0xae: {  	[sflag:s0] =	ssyncset.done $0x0  }
0xaf: {  	[sflag:s0] =	ssyncadd.s32 $0xFFFF8000  }
0xb0: {  	v3 =	vld [tilespmem:$0x180];
	_ =	sdelay $0x4  }
0xb1: {  	v62 =	vshll.u32 v3, $0x3  }
0xb2: {  	v3 =	vand.u32 $0x7, v3;
	v4 =	vand.u32 $0xFFFFFFC0, v62  }
0xb3: {  	v3 =	vor.u32 v3, v4  }
0xb4: {  	v4 =	vperm.xlane v3, v0;
	_ =	sdelay $0x1  }
0xb5: {  	v4 =	vadd.s32 v1, v4;
	_ =	sdelay $0x4  }
0xb6: {  	[hbm4b:s3+s1] =	stream.indirect_vreg.scatter [tilespmem:s11], [sflag:$0x4], $0x80, v4, vm0, $0xb8;
	[tilespmem:$0x10200] =	vst v63  }
0xb7: {  	v3 =	vperm.xlane v3, v2  }
0xb8: {  	[hbm4b:s5+s1] =	stream.indirect_vreg.scatter [tilespmem:s21], [sflag:$0x4], $0x80, v4, vm0, $0xb8;
	[tilespmem:$0x10200] =	vst v63  }
0xb9: {  	s24 =	simm.s32 $0x9200;
	v3 =	vadd.s32 v1, v3  }
0xba: {  	[hbm4b:s6+s1] =	stream.indirect_vreg.scatter [tilespmem:s24], [sflag:$0x4], $0x80, v4, vm0, $0xb8;
	[tilespmem:$0x10200] =	vst v63  }
0xbb: {  	_ = 	snop  }
0xbc: {  	[hbm4b:s7+s1] =	stream.indirect_vreg.scatter [tilespmem:s9], [sflag:$0x4], $0x80, v4, vm0, $0xb8;
	[tilespmem:$0x10200] =	vst v63  }
0xbd: {  	_ = 	snop  }
0xbe: {  	[hbm4b:s3+s1] =	stream.indirect_vreg.scatter [tilespmem:s10], [sflag:$0x4], $0x80, v3, vm0, $0xb8;
	[tilespmem:$0x10200] =	vst v63  }
0xbf: {  	s24 =	simm.s32 $0xAA00  }
0xc0: {  	[hbm4b:s5+s1] =	stream.indirect_vreg.scatter [tilespmem:s24], [sflag:$0x4], $0x80, v3, vm0, $0xb8;
	[tilespmem:$0x10200] =	vst v63  }
0xc1: {  	s9 =	simm.s32 $0xB200  }
0xc2: {  	[hbm4b:s6+s1] =	stream.indirect_vreg.scatter [tilespmem:s9], [sflag:$0x4], $0x80, v3, vm0, $0xb8;
	[tilespmem:$0x10200] =	vst v63  }
0xc3: {  	s24 =	simm.s32 $0xBA00  }
0xc4: {  	[hbm4b:s7+s1] =	stream.indirect_vreg.scatter [tilespmem:s24], [sflag:$0x4], $0x80, v3, vm0, $0xb8;
	[tilespmem:$0x10200] =	vst v63  }
0xc5: {  	v3 =	vld [tilespmem:$0x190];
	_ =	sdelay $0x4  }
0xc6: {  	v63 =	vshll.u32 v3, $0x3  }
0xc7: {  	v3 =	vand.u32 $0x7, v3;
	v4 =	vand.u32 $0xFFFFFFC0, v63  }
0xc8: {  	v3 =	vor.u32 v3, v4  }
0xc9: {  	v4 =	vperm.xlane v3, v0;
	_ =	sdelay $0x1  }
0xca: {  	v4 =	vadd.s32 v1, v4;
	_ =	sdelay $0x3  }
0xcb: {  	s9 =	simm.s32 $0xC200  }
0xcc: {  	[hbm4b:s3+s1] =	stream.indirect_vreg.scatter [tilespmem:s9], [sflag:$0x4], $0x80, v4, vm0, $0xb8;
	[tilespmem:$0x10200] =	vst v63  }
0xcd: {  	s24 =	simm.s32 $0xCA00;
	v3 =	vperm.xlane v3, v2  }
0xce: {  	[hbm4b:s5+s1] =	stream.indirect_vreg.scatter [tilespmem:s24], [sflag:$0x4], $0x80, v4, vm0, $0xb8;
	[tilespmem:$0x10200] =	vst v63  }
0xcf: {  	v3 =	vadd.s32 v1, v3;
	s9 =	simm.s32 $0xD200  }
0xd0: {  	[hbm4b:s6+s1] =	stream.indirect_vreg.scatter [tilespmem:s9], [sflag:$0x4], $0x80, v4, vm0, $0xb8;
	[tilespmem:$0x10200] =	vst v63  }
0xd1: {  	s24 =	simm.s32 $0xDA00  }
0xd2: {  	[hbm4b:s7+s1] =	stream.indirect_vreg.scatter [tilespmem:s24], [sflag:$0x4], $0x80, v4, vm0, $0xb8;
	[tilespmem:$0x10200] =	vst v63  }
0xd3: {  	s9 =	simm.s32 $0xE200  }
0xd4: {  	[hbm4b:s3+s1] =	stream.indirect_vreg.scatter [tilespmem:s9], [sflag:$0x4], $0x80, v3, vm0, $0xb8;
	[tilespmem:$0x10200] =	vst v63  }
0xd5: {  	s24 =	simm.s32 $0xEA00  }
0xd6: {  	[hbm4b:s5+s1] =	stream.indirect_vreg.scatter [tilespmem:s24], [sflag:$0x4], $0x80, v3, vm0, $0xb8;
	[tilespmem:$0x10200] =	vst v63  }
0xd7: {  	s9 =	simm.s32 $0xF200  }
0xd8: {  	[hbm4b:s6+s1] =	stream.indirect_vreg.scatter [tilespmem:s9], [sflag:$0x4], $0x80, v3, vm0, $0xb8;
	[tilespmem:$0x10200] =	vst v63  }
0xd9: {  	s24 =	simm.s32 $0xFA00  }
0xda: {  	[hbm4b:s7+s1] =	stream.indirect_vreg.scatter [tilespmem:s24], [sflag:$0x4], $0x80, v3, vm0, $0xb8;
	[tilespmem:$0x10200] =	vst v63  }
0xdb: {  	p0 =	sne.s32 s8, $0x1;
	_ =	swait.ge [sflag:s22], $0x8000  }
.Ltmp0:
0xdc: {  	[sflag:s22] =	ssyncset.done $0x0;
	(pc) =	sbr.rel @p0 .LBB2_1-.Ltmp0, $4  }
0xdd: {  	[sflag:s22] =	ssyncadd.s32 $0xFFFF8000  }
0xde: {  	_ =	swait.ge [sflag:s23], $0x8000  }
0xdf: {  	[sflag:s23] =	ssyncset.done $0x0  }
0xe0: {  	s8 =	sadd.s32 $0xFFFFFFFF, s8;
	[sflag:s23] =	ssyncadd.s32 $0xFFFF8000  }
0xe1: {  	_ =	sfence.sel $0x180000  }
0xe2: {  	[bflag:$0x0] =	sbarrier.arrive $0xFFFF  }
0xe3: {  	_ =	strace $0x90000047  }
0xe4: {  	s0 =	stileid.u32;
	[bflag:$0x2] =	sbarrier.arrive $0xFFFF  }
0xe5: {  	p0 =	sne.s32 s0, $0x0;
	s0 =	rddreg [dreg:$0x2]  }
0xe6: {  	s0 =	sadd.s32 @!p0 $0x100000, s0  }
0xe7: {  	[sflag:s0] =	ssyncadd.tile.s32 @!p0 $0x1;
	_ =	shalt  }
.Lfunc_end2:
_tile_overlayer_lowered:
.L_overlay_start_2:
0xe8: {  	(tag) =	ssettag $0x2  }
0xe9: {  	s0 =	rddreg [dreg:$0x0];
	s2 =	stileid.u32  }
0xea: {  	s1 =	rddreg [dreg:$0x1];
	p0 =	sne.s32 s2, $0x0  }
0xeb: {  	s3 =	rddreg [dreg:$0x2];
	[bflag:$0x3] =	sbarrier.arrive $0xFFFF;
	s2 =	simm.s32 @!p0 $0x1C05  }
0xec: {  	[timem:s3], [sflag:s2] =	dma.local @!p0 [hbm:s0], s1  }
0xed: {  	s0 =	simm.s32 @!p0 $0x5  }
0xee: {  	_ =	swait.ge @!p0 [sflag:s0], s1  }
0xef: {  	s1 =	ssub.s32 @!p0 $0x0, s1;
	[sflag:s0] =	ssyncset.done @!p0 $0x0  }
0xf0: {  	[sflag:s0] =	ssyncadd.s32 @!p0 s1  }
0xf1: {  	[bflag:$0x3] =	sbarrier.arrive $0xFFFF  }
0xf2: {  	_ =	shalt  }

</sc_bundles>
